<compile_context>
chip_gen: v7x
topology: tpu7x:2x2x1
jax: 0.10.2.dev20260603
libtpu: 0.0.44.dev20260713+nightly
codegen_flags: <defaults>
</compile_context>

<pallas_src>
import functools

import jax
import jax.numpy as jnp
from jax import lax
from jax.experimental import pallas as pl
from jax.experimental.pallas import tpu as pltpu
from jax.experimental.pallas import tpu_sc as plsc

NUM_FIELDS = 26
VOCAB = 100000
EMBED_DIM = 16
BATCH = 16384

_NC = 2
_NS = 16
_NW = _NC * _NS

_BF = BATCH * NUM_FIELDS
_B_PER_W = _BF // _NW
_CHUNK = 1664
_NCHUNK = _B_PER_W // _CHUNK


def _make_kernel():
  mesh = plsc.VectorSubcoreMesh(core_axis_name="c", subcore_axis_name="s")

  @functools.partial(
      pl.kernel,
      mesh=mesh,
      out_type=jax.ShapeDtypeStruct((_BF, EMBED_DIM), jnp.float32),
      compiler_params=pltpu.CompilerParams(use_tc_tiling_on_sc=False),
      scratch_types=[
          pltpu.VMEM((_B_PER_W,), jnp.int32),
          pltpu.VMEM((2, _CHUNK, EMBED_DIM), jnp.float32),
          pltpu.SemaphoreType.DMA,
          pltpu.SemaphoreType.DMA,
          pltpu.SemaphoreType.DMA,
          pltpu.SemaphoreType.DMA,
      ],
  )
  def emb_gather(idx_hbm, table_hbm, out_hbm, idx_v, rows_v, g0, g1, s0, s1):
    wid = lax.axis_index("s") * _NC + lax.axis_index("c")
    base = wid * _B_PER_W
    pltpu.sync_copy(idx_hbm.at[pl.ds(base, _B_PER_W)], idx_v)

    gsem = [g0, g1]
    ssem = [s0, s1]

    def gather(c):
      buf = c % 2
      return pltpu.async_copy(
          table_hbm.at[idx_v.at[pl.ds(c * _CHUNK, _CHUNK)]],
          rows_v.at[buf], gsem[buf])

    def put(c):
      buf = c % 2
      return pltpu.async_copy(
          rows_v.at[buf], out_hbm.at[pl.ds(base + c * _CHUNK, _CHUNK)],
          ssem[buf])

    gh = [None] * _NCHUNK
    ph = [None] * _NCHUNK
    gh[0] = gather(0)
    for c in range(_NCHUNK):
      if c + 1 < _NCHUNK:
        if c >= 1:
          ph[c - 1].wait()
        gh[c + 1] = gather(c + 1)
      gh[c].wait()
      ph[c] = put(c)
    ph[_NCHUNK - 2].wait()
    ph[_NCHUNK - 1].wait()

  return emb_gather


_EMB_GATHER = _make_kernel()


def kernel(features, tables):
  B, F = features.shape
  D = tables.shape[-1]
  flat_tables = tables[:, :VOCAB, :].reshape(F * VOCAB, D)
  offsets = (jnp.arange(F, dtype=jnp.int32) * VOCAB)[None, :]
  idx = (features.astype(jnp.int32) + offsets).reshape(-1)
  out = _EMB_GATHER(idx, flat_tables)
  return out.reshape(B, F * D)

# --- scband reference (transcript-rebuilt; emitter-appended) ---
"""Pipeline reference for scband-feature-rep-44951127720547 (READ-ONLY COPY).

The authoritative reference and input builder live on the scoring server;
editing this copy changes nothing except your own understanding.
"""

import jax, jax.numpy as jnp
import numpy as np

NUM_FIELDS = 26
VOCAB = 100000  # rows per table = VOCAB + 1 (padding_idx 0)
EMBED_DIM = 16
BATCH = 16384


def setup_inputs(seed: int = 0) -> dict:
    key = jax.random.key(seed)
    k_idx, k_tab = jax.random.split(key)
    features = jax.random.randint(k_idx, (BATCH, NUM_FIELDS), 0, VOCAB, dtype=jnp.int64)
    # Per-field embedding tables, stacked: [F, V+1, D]. Row 0 is padding (zeros),
    # remaining rows uniform in [-scale, scale] as in random_embedding.
    scale = np.sqrt(3.0 / EMBED_DIM)
    tables = jax.random.uniform(k_tab, (NUM_FIELDS, VOCAB + 1, EMBED_DIM),
                                minval=-scale, maxval=scale, dtype=jnp.float32)
    tables = tables.at[:, 0, :].set(0.0)  # padding_idx=0
    return {"features": features, "tables": tables}


def reference(features, tables):
    # For each field f: embedding lookup tables[f][features[:, f]] -> [B, D],
    # then concatenate along last dim -> [B, F*D]. Done vectorized but math-identical
    # to the per-field nn.Embedding lookups + torch.cat.
    B, F = features.shape
    field_ids = jnp.arange(F)[None, :]            # [1, F]
    embs = tables[field_ids, features]            # [B, F, D] gather
    feat_embs = embs.reshape(B, F * tables.shape[-1])
    return feat_embs

if __name__ == "__main__":
    import jax
    _d = setup_inputs()
    print(jax.jit(kernel)(*tuple(_d.values())))

</pallas_src>

<mosaic_0001>
#map = affine_map<(d0, d1) -> (0)>
#map1 = affine_map<(d0, d1) -> (0, 0)>
module attributes {stable_mosaic.version = 14 : i64} {
  func.func @emb_gather(%arg0: i32, %arg1: i32, %arg2: memref<425984xi32, #tpu.memory_space<hbm>>, %arg3: memref<2600000x16xf32, #tpu.memory_space<hbm>>, %arg4: memref<425984x16xf32, #tpu.memory_space<hbm>>, %arg5: memref<13312xi32, #tpu.memory_space<vmem>>, %arg6: memref<2x1664x16xf32, #tpu.memory_space<vmem>>, %arg7: memref<!tpu.dma_semaphore, #tpu.memory_space<semaphore_mem>>, %arg8: memref<!tpu.dma_semaphore, #tpu.memory_space<semaphore_mem>>, %arg9: memref<!tpu.dma_semaphore, #tpu.memory_space<semaphore_mem>>, %arg10: memref<!tpu.dma_semaphore, #tpu.memory_space<semaphore_mem>>) attributes {dimension_semantics = [#tpu.dimension_semantics<core_parallel>, #tpu.dimension_semantics<subcore_parallel>], iteration_bounds = array<i64: 2, 16>, scalar_prefetch = 0 : i64, scratch_operands = 6 : i64, tpu.core_type = #tpu.core_type<sc_vector_subcore>, window_params = [{transform_indices = #map}, {transform_indices = #map1}, {transform_indices = #map1}]} {
    %mul3A = arith.constant 2 : i32
    %mul3A_0 = arith.muli %arg1, %mul3A : i32
    %add3A = arith.addi %mul3A_0, %arg0 : i32
    %mul3A_1 = arith.constant 13312 : i32
    %mul3A_2 = arith.muli %add3A, %mul3A_1 : i32
    "tpu.region"() ({
      %run_scoped3A = tpu.sem_alloc : memref<!tpu.dma_semaphore, #tpu.memory_space<semaphore_mem>>
      %dma_start3A_385 = tpu.memref_slice %arg2[%mul3A_2] : memref<425984xi32, #tpu.memory_space<hbm>> -> memref<13312xi32, #tpu.memory_space<hbm>>
      %dma_start3A_386 = tpu.memref_slice %arg2[%mul3A_2] : memref<425984xi32, #tpu.memory_space<hbm>> -> memref<13312xi32, #tpu.memory_space<hbm>>
      tpu.enqueue_dma source(%dma_start3A_386 : memref<13312xi32, #tpu.memory_space<hbm>>) target(%arg5 : memref<13312xi32, #tpu.memory_space<vmem>>) target_semaphore(%run_scoped3A : memref<!tpu.dma_semaphore, #tpu.memory_space<semaphore_mem>>)
      %dma_wait3A_387 = tpu.memref_slice %arg2[%mul3A_2] : memref<425984xi32, #tpu.memory_space<hbm>> -> memref<13312xi32, #tpu.memory_space<hbm>>
      %dma_wait3A_388 = tpu.memref_slice %arg2[%mul3A_2] : memref<425984xi32, #tpu.memory_space<hbm>> -> memref<13312xi32, #tpu.memory_space<hbm>>
      tpu.wait_dma2 semaphore(%run_scoped3A : memref<!tpu.dma_semaphore, #tpu.memory_space<semaphore_mem>>) src(%dma_wait3A_388 : memref<13312xi32, #tpu.memory_space<hbm>>) dst(%arg5 : memref<13312xi32, #tpu.memory_space<vmem>>)
      tpu.yield
    }) : () -> ()
    %dma_start3A = arith.constant 0 : i32
    %dma_start3A_3 = arith.constant 0 : i32
    %dma_start3A_4 = arith.constant 0 : i32
    %dma_start3A_5 = tpu.memref_slice %arg6[%dma_start3A, %dma_start3A_3, %dma_start3A_4] : memref<2x1664x16xf32, #tpu.memory_space<vmem>> -> memref<1x1664x16xf32, #tpu.memory_space<vmem>>
    %dma_start3A_6 = tpu.memref_squeeze %dma_start3A_5 : memref<1x1664x16xf32, #tpu.memory_space<vmem>> -> memref<1664x16xf32, #tpu.memory_space<vmem>>
    %dma_start3A_7 = arith.constant 0 : i32
    %dma_start3A_8 = tpu.memref_slice %arg5[%dma_start3A_7] : memref<13312xi32, #tpu.memory_space<vmem>> -> memref<1664xi32, #tpu.memory_space<vmem>>
    %dma_start3A_9 = arith.constant 0 : i32
    %dma_start3A_10 = arith.constant 0 : i32
    %dma_start3A_11 = tpu.memref_slice %arg3[%dma_start3A_9, %dma_start3A_10] : memref<2600000x16xf32, #tpu.memory_space<hbm>> -> memref<2600000x16xf32, #tpu.memory_space<hbm>>
    tpu.enqueue_indirect_dma source(%dma_start3A_11 : memref<2600000x16xf32, #tpu.memory_space<hbm>>) target(%dma_start3A_6 : memref<1664x16xf32, #tpu.memory_space<vmem>>) offsets(%dma_start3A_8 : memref<1664xi32, #tpu.memory_space<vmem>>) semaphore(%arg7 : memref<!tpu.dma_semaphore, #tpu.memory_space<semaphore_mem>>)
    %dma_start3A_12 = arith.constant 1 : i32
    %dma_start3A_13 = arith.constant 0 : i32
    %dma_start3A_14 = arith.constant 0 : i32
    %dma_start3A_15 = tpu.memref_slice %arg6[%dma_start3A_12, %dma_start3A_13, %dma_start3A_14] : memref<2x1664x16xf32, #tpu.memory_space<vmem>> -> memref<1x1664x16xf32, #tpu.memory_space<vmem>>
    %dma_start3A_16 = tpu.memref_squeeze %dma_start3A_15 : memref<1x1664x16xf32, #tpu.memory_space<vmem>> -> memref<1664x16xf32, #tpu.memory_space<vmem>>
    %dma_start3A_17 = arith.constant 1664 : i32
    %dma_start3A_18 = tpu.memref_slice %arg5[%dma_start3A_17] : memref<13312xi32, #tpu.memory_space<vmem>> -> memref<1664xi32, #tpu.memory_space<vmem>>
    %dma_start3A_19 = arith.constant 0 : i32
    %dma_start3A_20 = arith.constant 0 : i32
    %dma_start3A_21 = tpu.memref_slice %arg3[%dma_start3A_19, %dma_start3A_20] : memref<2600000x16xf32, #tpu.memory_space<hbm>> -> memref<2600000x16xf32, #tpu.memory_space<hbm>>
    tpu.enqueue_indirect_dma source(%dma_start3A_21 : memref<2600000x16xf32, #tpu.memory_space<hbm>>) target(%dma_start3A_16 : memref<1664x16xf32, #tpu.memory_space<vmem>>) offsets(%dma_start3A_18 : memref<1664xi32, #tpu.memory_space<vmem>>) semaphore(%arg8 : memref<!tpu.dma_semaphore, #tpu.memory_space<semaphore_mem>>)
    %dma_wait3A = arith.constant 0 : i32
    %dma_wait3A_22 = arith.constant 0 : i32
    %dma_wait3A_23 = arith.constant 0 : i32
    %dma_wait3A_24 = tpu.memref_slice %arg6[%dma_wait3A, %dma_wait3A_22, %dma_wait3A_23] : memref<2x1664x16xf32, #tpu.memory_space<vmem>> -> memref<1x1664x16xf32, #tpu.memory_space<vmem>>
    %dma_wait3A_25 = tpu.memref_squeeze %dma_wait3A_24 : memref<1x1664x16xf32, #tpu.memory_space<vmem>> -> memref<1664x16xf32, #tpu.memory_space<vmem>>
    %dma_wait3A_26 = arith.constant 0 : i32
    %dma_wait3A_27 = tpu.memref_slice %arg5[%dma_wait3A_26] : memref<13312xi32, #tpu.memory_space<vmem>> -> memref<1664xi32, #tpu.memory_space<vmem>>
    %dma_wait3A_28 = arith.constant 0 : i32
    %dma_wait3A_29 = arith.constant 0 : i32
    %dma_wait3A_30 = tpu.memref_slice %arg3[%dma_wait3A_28, %dma_wait3A_29] : memref<2600000x16xf32, #tpu.memory_space<hbm>> -> memref<2600000x16xf32, #tpu.memory_space<hbm>>
    tpu.wait_indirect_dma semaphore(%arg7 : memref<!tpu.dma_semaphore, #tpu.memory_space<semaphore_mem>>) src(%dma_wait3A_30 : memref<2600000x16xf32, #tpu.memory_space<hbm>>) dst(%dma_wait3A_25 : memref<1664x16xf32, #tpu.memory_space<vmem>>)
    %add3A_31 = arith.constant 0 : i32
    %add3A_32 = arith.addi %mul3A_2, %add3A_31 : i32
    %dma_start3A_33 = arith.constant 0 : i32
    %dma_start3A_34 = arith.constant 0 : i32
    %dma_start3A_35 = arith.constant 0 : i32
    %dma_start3A_36 = tpu.memref_slice %arg6[%dma_start3A_33, %dma_start3A_34, %dma_start3A_35] : memref<2x1664x16xf32, #tpu.memory_space<vmem>> -> memref<1x1664x16xf32, #tpu.memory_space<vmem>>
    %dma_start3A_37 = tpu.memref_squeeze %dma_start3A_36 : memref<1x1664x16xf32, #tpu.memory_space<vmem>> -> memref<1664x16xf32, #tpu.memory_space<vmem>>
    %dma_start3A_38 = arith.constant 0 : i32
    %dma_start3A_39 = tpu.memref_slice %arg4[%add3A_32, %dma_start3A_38] : memref<425984x16xf32, #tpu.memory_space<hbm>> -> memref<1664x16xf32, #tpu.memory_space<hbm>>
    %dma_start3A_40 = arith.constant 0 : i32
    %dma_start3A_41 = tpu.memref_slice %arg4[%add3A_32, %dma_start3A_40] : memref<425984x16xf32, #tpu.memory_space<hbm>> -> memref<1664x16xf32, #tpu.memory_space<hbm>>
    %dma_start3A_42 = arith.constant 0 : i32
    %dma_start3A_43 = arith.constant 0 : i32
    %dma_start3A_44 = tpu.memref_slice %arg6[%dma_start3A_33, %dma_start3A_42, %dma_start3A_43] : memref<2x1664x16xf32, #tpu.memory_space<vmem>> -> memref<1x1664x16xf32, #tpu.memory_space<vmem>>
    %dma_start3A_45 = tpu.memref_squeeze %dma_start3A_44 : memref<1x1664x16xf32, #tpu.memory_space<vmem>> -> memref<1664x16xf32, #tpu.memory_space<vmem>>
    tpu.enqueue_dma source(%dma_start3A_45 : memref<1664x16xf32, #tpu.memory_space<vmem>>) target(%dma_start3A_41 : memref<1664x16xf32, #tpu.memory_space<hbm>>) target_semaphore(%arg9 : memref<!tpu.dma_semaphore, #tpu.memory_space<semaphore_mem>>)
    %dma_wait3A_46 = arith.constant 0 : i32
    %dma_wait3A_47 = arith.constant 0 : i32
    %dma_wait3A_48 = arith.constant 0 : i32
    %dma_wait3A_49 = tpu.memref_slice %arg6[%dma_wait3A_46, %dma_wait3A_47, %dma_wait3A_48] : memref<2x1664x16xf32, #tpu.memory_space<vmem>> -> memref<1x1664x16xf32, #tpu.memory_space<vmem>>
    %dma_wait3A_50 = tpu.memref_squeeze %dma_wait3A_49 : memref<1x1664x16xf32, #tpu.memory_space<vmem>> -> memref<1664x16xf32, #tpu.memory_space<vmem>>
    %dma_wait3A_51 = arith.constant 0 : i32
    %dma_wait3A_52 = tpu.memref_slice %arg4[%add3A_32, %dma_wait3A_51] : memref<425984x16xf32, #tpu.memory_space<hbm>> -> memref<1664x16xf32, #tpu.memory_space<hbm>>
    %dma_wait3A_53 = arith.constant 0 : i32
    %dma_wait3A_54 = tpu.memref_slice %arg4[%add3A_32, %dma_wait3A_53] : memref<425984x16xf32, #tpu.memory_space<hbm>> -> memref<1664x16xf32, #tpu.memory_space<hbm>>
    %dma_wait3A_55 = arith.constant 0 : i32
    %dma_wait3A_56 = arith.constant 0 : i32
    %dma_wait3A_57 = tpu.memref_slice %arg6[%dma_wait3A_46, %dma_wait3A_55, %dma_wait3A_56] : memref<2x1664x16xf32, #tpu.memory_space<vmem>> -> memref<1x1664x16xf32, #tpu.memory_space<vmem>>
    %dma_wait3A_58 = tpu.memref_squeeze %dma_wait3A_57 : memref<1x1664x16xf32, #tpu.memory_space<vmem>> -> memref<1664x16xf32, #tpu.memory_space<vmem>>
    tpu.wait_dma2 semaphore(%arg9 : memref<!tpu.dma_semaphore, #tpu.memory_space<semaphore_mem>>) src(%dma_wait3A_58 : memref<1664x16xf32, #tpu.memory_space<vmem>>) dst(%dma_wait3A_54 : memref<1664x16xf32, #tpu.memory_space<hbm>>)
    %dma_start3A_59 = arith.constant 0 : i32
    %dma_start3A_60 = arith.constant 0 : i32
    %dma_start3A_61 = arith.constant 0 : i32
    %dma_start3A_62 = tpu.memref_slice %arg6[%dma_start3A_59, %dma_start3A_60, %dma_start3A_61] : memref<2x1664x16xf32, #tpu.memory_space<vmem>> -> memref<1x1664x16xf32, #tpu.memory_space<vmem>>
    %dma_start3A_63 = tpu.memref_squeeze %dma_start3A_62 : memref<1x1664x16xf32, #tpu.memory_space<vmem>> -> memref<1664x16xf32, #tpu.memory_space<vmem>>
    %dma_start3A_64 = arith.constant 3328 : i32
    %dma_start3A_65 = tpu.memref_slice %arg5[%dma_start3A_64] : memref<13312xi32, #tpu.memory_space<vmem>> -> memref<1664xi32, #tpu.memory_space<vmem>>
    %dma_start3A_66 = arith.constant 0 : i32
    %dma_start3A_67 = arith.constant 0 : i32
    %dma_start3A_68 = tpu.memref_slice %arg3[%dma_start3A_66, %dma_start3A_67] : memref<2600000x16xf32, #tpu.memory_space<hbm>> -> memref<2600000x16xf32, #tpu.memory_space<hbm>>
    tpu.enqueue_indirect_dma source(%dma_start3A_68 : memref<2600000x16xf32, #tpu.memory_space<hbm>>) target(%dma_start3A_63 : memref<1664x16xf32, #tpu.memory_space<vmem>>) offsets(%dma_start3A_65 : memref<1664xi32, #tpu.memory_space<vmem>>) semaphore(%arg7 : memref<!tpu.dma_semaphore, #tpu.memory_space<semaphore_mem>>)
    %dma_wait3A_69 = arith.constant 1 : i32
    %dma_wait3A_70 = arith.constant 0 : i32
    %dma_wait3A_71 = arith.constant 0 : i32
    %dma_wait3A_72 = tpu.memref_slice %arg6[%dma_wait3A_69, %dma_wait3A_70, %dma_wait3A_71] : memref<2x1664x16xf32, #tpu.memory_space<vmem>> -> memref<1x1664x16xf32, #tpu.memory_space<vmem>>
    %dma_wait3A_73 = tpu.memref_squeeze %dma_wait3A_72 : memref<1x1664x16xf32, #tpu.memory_space<vmem>> -> memref<1664x16xf32, #tpu.memory_space<vmem>>
    %dma_wait3A_74 = arith.constant 1664 : i32
    %dma_wait3A_75 = tpu.memref_slice %arg5[%dma_wait3A_74] : memref<13312xi32, #tpu.memory_space<vmem>> -> memref<1664xi32, #tpu.memory_space<vmem>>
    %dma_wait3A_76 = arith.constant 0 : i32
    %dma_wait3A_77 = arith.constant 0 : i32
    %dma_wait3A_78 = tpu.memref_slice %arg3[%dma_wait3A_76, %dma_wait3A_77] : memref<2600000x16xf32, #tpu.memory_space<hbm>> -> memref<2600000x16xf32, #tpu.memory_space<hbm>>
    tpu.wait_indirect_dma semaphore(%arg8 : memref<!tpu.dma_semaphore, #tpu.memory_space<semaphore_mem>>) src(%dma_wait3A_78 : memref<2600000x16xf32, #tpu.memory_space<hbm>>) dst(%dma_wait3A_73 : memref<1664x16xf32, #tpu.memory_space<vmem>>)
    %add3A_79 = arith.constant 1664 : i32
    %add3A_80 = arith.addi %mul3A_2, %add3A_79 : i32
    %dma_start3A_81 = arith.constant 1 : i32
    %dma_start3A_82 = arith.constant 0 : i32
    %dma_start3A_83 = arith.constant 0 : i32
    %dma_start3A_84 = tpu.memref_slice %arg6[%dma_start3A_81, %dma_start3A_82, %dma_start3A_83] : memref<2x1664x16xf32, #tpu.memory_space<vmem>> -> memref<1x1664x16xf32, #tpu.memory_space<vmem>>
    %dma_start3A_85 = tpu.memref_squeeze %dma_start3A_84 : memref<1x1664x16xf32, #tpu.memory_space<vmem>> -> memref<1664x16xf32, #tpu.memory_space<vmem>>
    %dma_start3A_86 = arith.constant 0 : i32
    %dma_start3A_87 = tpu.memref_slice %arg4[%add3A_80, %dma_start3A_86] : memref<425984x16xf32, #tpu.memory_space<hbm>> -> memref<1664x16xf32, #tpu.memory_space<hbm>>
    %dma_start3A_88 = arith.constant 0 : i32
    %dma_start3A_89 = tpu.memref_slice %arg4[%add3A_80, %dma_start3A_88] : memref<425984x16xf32, #tpu.memory_space<hbm>> -> memref<1664x16xf32, #tpu.memory_space<hbm>>
    %dma_start3A_90 = arith.constant 0 : i32
    %dma_start3A_91 = arith.constant 0 : i32
    %dma_start3A_92 = tpu.memref_slice %arg6[%dma_start3A_81, %dma_start3A_90, %dma_start3A_91] : memref<2x1664x16xf32, #tpu.memory_space<vmem>> -> memref<1x1664x16xf32, #tpu.memory_space<vmem>>
    %dma_start3A_93 = tpu.memref_squeeze %dma_start3A_92 : memref<1x1664x16xf32, #tpu.memory_space<vmem>> -> memref<1664x16xf32, #tpu.memory_space<vmem>>
    tpu.enqueue_dma source(%dma_start3A_93 : memref<1664x16xf32, #tpu.memory_space<vmem>>) target(%dma_start3A_89 : memref<1664x16xf32, #tpu.memory_space<hbm>>) target_semaphore(%arg10 : memref<!tpu.dma_semaphore, #tpu.memory_space<semaphore_mem>>)
    %dma_wait3A_94 = arith.constant 1 : i32
    %dma_wait3A_95 = arith.constant 0 : i32
    %dma_wait3A_96 = arith.constant 0 : i32
    %dma_wait3A_97 = tpu.memref_slice %arg6[%dma_wait3A_94, %dma_wait3A_95, %dma_wait3A_96] : memref<2x1664x16xf32, #tpu.memory_space<vmem>> -> memref<1x1664x16xf32, #tpu.memory_space<vmem>>
    %dma_wait3A_98 = tpu.memref_squeeze %dma_wait3A_97 : memref<1x1664x16xf32, #tpu.memory_space<vmem>> -> memref<1664x16xf32, #tpu.memory_space<vmem>>
    %dma_wait3A_99 = arith.constant 0 : i32
    %dma_wait3A_100 = tpu.memref_slice %arg4[%add3A_80, %dma_wait3A_99] : memref<425984x16xf32, #tpu.memory_space<hbm>> -> memref<1664x16xf32, #tpu.memory_space<hbm>>
    %dma_wait3A_101 = arith.constant 0 : i32
    %dma_wait3A_102 = tpu.memref_slice %arg4[%add3A_80, %dma_wait3A_101] : memref<425984x16xf32, #tpu.memory_space<hbm>> -> memref<1664x16xf32, #tpu.memory_space<hbm>>
    %dma_wait3A_103 = arith.constant 0 : i32
    %dma_wait3A_104 = arith.constant 0 : i32
    %dma_wait3A_105 = tpu.memref_slice %arg6[%dma_wait3A_94, %dma_wait3A_103, %dma_wait3A_104] : memref<2x1664x16xf32, #tpu.memory_space<vmem>> -> memref<1x1664x16xf32, #tpu.memory_space<vmem>>
    %dma_wait3A_106 = tpu.memref_squeeze %dma_wait3A_105 : memref<1x1664x16xf32, #tpu.memory_space<vmem>> -> memref<1664x16xf32, #tpu.memory_space<vmem>>
    tpu.wait_dma2 semaphore(%arg10 : memref<!tpu.dma_semaphore, #tpu.memory_space<semaphore_mem>>) src(%dma_wait3A_106 : memref<1664x16xf32, #tpu.memory_space<vmem>>) dst(%dma_wait3A_102 : memref<1664x16xf32, #tpu.memory_space<hbm>>)
    %dma_start3A_107 = arith.constant 1 : i32
    %dma_start3A_108 = arith.constant 0 : i32
    %dma_start3A_109 = arith.constant 0 : i32
    %dma_start3A_110 = tpu.memref_slice %arg6[%dma_start3A_107, %dma_start3A_108, %dma_start3A_109] : memref<2x1664x16xf32, #tpu.memory_space<vmem>> -> memref<1x1664x16xf32, #tpu.memory_space<vmem>>
    %dma_start3A_111 = tpu.memref_squeeze %dma_start3A_110 : memref<1x1664x16xf32, #tpu.memory_space<vmem>> -> memref<1664x16xf32, #tpu.memory_space<vmem>>
    %dma_start3A_112 = arith.constant 4992 : i32
    %dma_start3A_113 = tpu.memref_slice %arg5[%dma_start3A_112] : memref<13312xi32, #tpu.memory_space<vmem>> -> memref<1664xi32, #tpu.memory_space<vmem>>
    %dma_start3A_114 = arith.constant 0 : i32
    %dma_start3A_115 = arith.constant 0 : i32
    %dma_start3A_116 = tpu.memref_slice %arg3[%dma_start3A_114, %dma_start3A_115] : memref<2600000x16xf32, #tpu.memory_space<hbm>> -> memref<2600000x16xf32, #tpu.memory_space<hbm>>
    tpu.enqueue_indirect_dma source(%dma_start3A_116 : memref<2600000x16xf32, #tpu.memory_space<hbm>>) target(%dma_start3A_111 : memref<1664x16xf32, #tpu.memory_space<vmem>>) offsets(%dma_start3A_113 : memref<1664xi32, #tpu.memory_space<vmem>>) semaphore(%arg8 : memref<!tpu.dma_semaphore, #tpu.memory_space<semaphore_mem>>)
    %dma_wait3A_117 = arith.constant 0 : i32
    %dma_wait3A_118 = arith.constant 0 : i32
    %dma_wait3A_119 = arith.constant 0 : i32
    %dma_wait3A_120 = tpu.memref_slice %arg6[%dma_wait3A_117, %dma_wait3A_118, %dma_wait3A_119] : memref<2x1664x16xf32, #tpu.memory_space<vmem>> -> memref<1x1664x16xf32, #tpu.memory_space<vmem>>
    %dma_wait3A_121 = tpu.memref_squeeze %dma_wait3A_120 : memref<1x1664x16xf32, #tpu.memory_space<vmem>> -> memref<1664x16xf32, #tpu.memory_space<vmem>>
    %dma_wait3A_122 = arith.constant 3328 : i32
    %dma_wait3A_123 = tpu.memref_slice %arg5[%dma_wait3A_122] : memref<13312xi32, #tpu.memory_space<vmem>> -> memref<1664xi32, #tpu.memory_space<vmem>>
    %dma_wait3A_124 = arith.constant 0 : i32
    %dma_wait3A_125 = arith.constant 0 : i32
    %dma_wait3A_126 = tpu.memref_slice %arg3[%dma_wait3A_124, %dma_wait3A_125] : memref<2600000x16xf32, #tpu.memory_space<hbm>> -> memref<2600000x16xf32, #tpu.memory_space<hbm>>
    tpu.wait_indirect_dma semaphore(%arg7 : memref<!tpu.dma_semaphore, #tpu.memory_space<semaphore_mem>>) src(%dma_wait3A_126 : memref<2600000x16xf32, #tpu.memory_space<hbm>>) dst(%dma_wait3A_121 : memref<1664x16xf32, #tpu.memory_space<vmem>>)
    %add3A_127 = arith.constant 3328 : i32
    %add3A_128 = arith.addi %mul3A_2, %add3A_127 : i32
    %dma_start3A_129 = arith.constant 0 : i32
    %dma_start3A_130 = arith.constant 0 : i32
    %dma_start3A_131 = arith.constant 0 : i32
    %dma_start3A_132 = tpu.memref_slice %arg6[%dma_start3A_129, %dma_start3A_130, %dma_start3A_131] : memref<2x1664x16xf32, #tpu.memory_space<vmem>> -> memref<1x1664x16xf32, #tpu.memory_space<vmem>>
    %dma_start3A_133 = tpu.memref_squeeze %dma_start3A_132 : memref<1x1664x16xf32, #tpu.memory_space<vmem>> -> memref<1664x16xf32, #tpu.memory_space<vmem>>
    %dma_start3A_134 = arith.constant 0 : i32
    %dma_start3A_135 = tpu.memref_slice %arg4[%add3A_128, %dma_start3A_134] : memref<425984x16xf32, #tpu.memory_space<hbm>> -> memref<1664x16xf32, #tpu.memory_space<hbm>>
    %dma_start3A_136 = arith.constant 0 : i32
    %dma_start3A_137 = tpu.memref_slice %arg4[%add3A_128, %dma_start3A_136] : memref<425984x16xf32, #tpu.memory_space<hbm>> -> memref<1664x16xf32, #tpu.memory_space<hbm>>
    %dma_start3A_138 = arith.constant 0 : i32
    %dma_start3A_139 = arith.constant 0 : i32
    %dma_start3A_140 = tpu.memref_slice %arg6[%dma_start3A_129, %dma_start3A_138, %dma_start3A_139] : memref<2x1664x16xf32, #tpu.memory_space<vmem>> -> memref<1x1664x16xf32, #tpu.memory_space<vmem>>
    %dma_start3A_141 = tpu.memref_squeeze %dma_start3A_140 : memref<1x1664x16xf32, #tpu.memory_space<vmem>> -> memref<1664x16xf32, #tpu.memory_space<vmem>>
    tpu.enqueue_dma source(%dma_start3A_141 : memref<1664x16xf32, #tpu.memory_space<vmem>>) target(%dma_start3A_137 : memref<1664x16xf32, #tpu.memory_space<hbm>>) target_semaphore(%arg9 : memref<!tpu.dma_semaphore, #tpu.memory_space<semaphore_mem>>)
    %dma_wait3A_142 = arith.constant 0 : i32
    %dma_wait3A_143 = arith.constant 0 : i32
    %dma_wait3A_144 = arith.constant 0 : i32
    %dma_wait3A_145 = tpu.memref_slice %arg6[%dma_wait3A_142, %dma_wait3A_143, %dma_wait3A_144] : memref<2x1664x16xf32, #tpu.memory_space<vmem>> -> memref<1x1664x16xf32, #tpu.memory_space<vmem>>
    %dma_wait3A_146 = tpu.memref_squeeze %dma_wait3A_145 : memref<1x1664x16xf32, #tpu.memory_space<vmem>> -> memref<1664x16xf32, #tpu.memory_space<vmem>>
    %dma_wait3A_147 = arith.constant 0 : i32
    %dma_wait3A_148 = tpu.memref_slice %arg4[%add3A_128, %dma_wait3A_147] : memref<425984x16xf32, #tpu.memory_space<hbm>> -> memref<1664x16xf32, #tpu.memory_space<hbm>>
    %dma_wait3A_149 = arith.constant 0 : i32
    %dma_wait3A_150 = tpu.memref_slice %arg4[%add3A_128, %dma_wait3A_149] : memref<425984x16xf32, #tpu.memory_space<hbm>> -> memref<1664x16xf32, #tpu.memory_space<hbm>>
    %dma_wait3A_151 = arith.constant 0 : i32
    %dma_wait3A_152 = arith.constant 0 : i32
    %dma_wait3A_153 = tpu.memref_slice %arg6[%dma_wait3A_142, %dma_wait3A_151, %dma_wait3A_152] : memref<2x1664x16xf32, #tpu.memory_space<vmem>> -> memref<1x1664x16xf32, #tpu.memory_space<vmem>>
    %dma_wait3A_154 = tpu.memref_squeeze %dma_wait3A_153 : memref<1x1664x16xf32, #tpu.memory_space<vmem>> -> memref<1664x16xf32, #tpu.memory_space<vmem>>
    tpu.wait_dma2 semaphore(%arg9 : memref<!tpu.dma_semaphore, #tpu.memory_space<semaphore_mem>>) src(%dma_wait3A_154 : memref<1664x16xf32, #tpu.memory_space<vmem>>) dst(%dma_wait3A_150 : memref<1664x16xf32, #tpu.memory_space<hbm>>)
    %dma_start3A_155 = arith.constant 0 : i32
    %dma_start3A_156 = arith.constant 0 : i32
    %dma_start3A_157 = arith.constant 0 : i32
    %dma_start3A_158 = tpu.memref_slice %arg6[%dma_start3A_155, %dma_start3A_156, %dma_start3A_157] : memref<2x1664x16xf32, #tpu.memory_space<vmem>> -> memref<1x1664x16xf32, #tpu.memory_space<vmem>>
    %dma_start3A_159 = tpu.memref_squeeze %dma_start3A_158 : memref<1x1664x16xf32, #tpu.memory_space<vmem>> -> memref<1664x16xf32, #tpu.memory_space<vmem>>
    %dma_start3A_160 = arith.constant 6656 : i32
    %dma_start3A_161 = tpu.memref_slice %arg5[%dma_start3A_160] : memref<13312xi32, #tpu.memory_space<vmem>> -> memref<1664xi32, #tpu.memory_space<vmem>>
    %dma_start3A_162 = arith.constant 0 : i32
    %dma_start3A_163 = arith.constant 0 : i32
    %dma_start3A_164 = tpu.memref_slice %arg3[%dma_start3A_162, %dma_start3A_163] : memref<2600000x16xf32, #tpu.memory_space<hbm>> -> memref<2600000x16xf32, #tpu.memory_space<hbm>>
    tpu.enqueue_indirect_dma source(%dma_start3A_164 : memref<2600000x16xf32, #tpu.memory_space<hbm>>) target(%dma_start3A_159 : memref<1664x16xf32, #tpu.memory_space<vmem>>) offsets(%dma_start3A_161 : memref<1664xi32, #tpu.memory_space<vmem>>) semaphore(%arg7 : memref<!tpu.dma_semaphore, #tpu.memory_space<semaphore_mem>>)
    %dma_wait3A_165 = arith.constant 1 : i32
    %dma_wait3A_166 = arith.constant 0 : i32
    %dma_wait3A_167 = arith.constant 0 : i32
    %dma_wait3A_168 = tpu.memref_slice %arg6[%dma_wait3A_165, %dma_wait3A_166, %dma_wait3A_167] : memref<2x1664x16xf32, #tpu.memory_space<vmem>> -> memref<1x1664x16xf32, #tpu.memory_space<vmem>>
    %dma_wait3A_169 = tpu.memref_squeeze %dma_wait3A_168 : memref<1x1664x16xf32, #tpu.memory_space<vmem>> -> memref<1664x16xf32, #tpu.memory_space<vmem>>
    %dma_wait3A_170 = arith.constant 4992 : i32
    %dma_wait3A_171 = tpu.memref_slice %arg5[%dma_wait3A_170] : memref<13312xi32, #tpu.memory_space<vmem>> -> memref<1664xi32, #tpu.memory_space<vmem>>
    %dma_wait3A_172 = arith.constant 0 : i32
    %dma_wait3A_173 = arith.constant 0 : i32
    %dma_wait3A_174 = tpu.memref_slice %arg3[%dma_wait3A_172, %dma_wait3A_173] : memref<2600000x16xf32, #tpu.memory_space<hbm>> -> memref<2600000x16xf32, #tpu.memory_space<hbm>>
    tpu.wait_indirect_dma semaphore(%arg8 : memref<!tpu.dma_semaphore, #tpu.memory_space<semaphore_mem>>) src(%dma_wait3A_174 : memref<2600000x16xf32, #tpu.memory_space<hbm>>) dst(%dma_wait3A_169 : memref<1664x16xf32, #tpu.memory_space<vmem>>)
    %add3A_175 = arith.constant 4992 : i32
    %add3A_176 = arith.addi %mul3A_2, %add3A_175 : i32
    %dma_start3A_177 = arith.constant 1 : i32
    %dma_start3A_178 = arith.constant 0 : i32
    %dma_start3A_179 = arith.constant 0 : i32
    %dma_start3A_180 = tpu.memref_slice %arg6[%dma_start3A_177, %dma_start3A_178, %dma_start3A_179] : memref<2x1664x16xf32, #tpu.memory_space<vmem>> -> memref<1x1664x16xf32, #tpu.memory_space<vmem>>
    %dma_start3A_181 = tpu.memref_squeeze %dma_start3A_180 : memref<1x1664x16xf32, #tpu.memory_space<vmem>> -> memref<1664x16xf32, #tpu.memory_space<vmem>>
    %dma_start3A_182 = arith.constant 0 : i32
    %dma_start3A_183 = tpu.memref_slice %arg4[%add3A_176, %dma_start3A_182] : memref<425984x16xf32, #tpu.memory_space<hbm>> -> memref<1664x16xf32, #tpu.memory_space<hbm>>
    %dma_start3A_184 = arith.constant 0 : i32
    %dma_start3A_185 = tpu.memref_slice %arg4[%add3A_176, %dma_start3A_184] : memref<425984x16xf32, #tpu.memory_space<hbm>> -> memref<1664x16xf32, #tpu.memory_space<hbm>>
    %dma_start3A_186 = arith.constant 0 : i32
    %dma_start3A_187 = arith.constant 0 : i32
    %dma_start3A_188 = tpu.memref_slice %arg6[%dma_start3A_177, %dma_start3A_186, %dma_start3A_187] : memref<2x1664x16xf32, #tpu.memory_space<vmem>> -> memref<1x1664x16xf32, #tpu.memory_space<vmem>>
    %dma_start3A_189 = tpu.memref_squeeze %dma_start3A_188 : memref<1x1664x16xf32, #tpu.memory_space<vmem>> -> memref<1664x16xf32, #tpu.memory_space<vmem>>
    tpu.enqueue_dma source(%dma_start3A_189 : memref<1664x16xf32, #tpu.memory_space<vmem>>) target(%dma_start3A_185 : memref<1664x16xf32, #tpu.memory_space<hbm>>) target_semaphore(%arg10 : memref<!tpu.dma_semaphore, #tpu.memory_space<semaphore_mem>>)
    %dma_wait3A_190 = arith.constant 1 : i32
    %dma_wait3A_191 = arith.constant 0 : i32
    %dma_wait3A_192 = arith.constant 0 : i32
    %dma_wait3A_193 = tpu.memref_slice %arg6[%dma_wait3A_190, %dma_wait3A_191, %dma_wait3A_192] : memref<2x1664x16xf32, #tpu.memory_space<vmem>> -> memref<1x1664x16xf32, #tpu.memory_space<vmem>>
    %dma_wait3A_194 = tpu.memref_squeeze %dma_wait3A_193 : memref<1x1664x16xf32, #tpu.memory_space<vmem>> -> memref<1664x16xf32, #tpu.memory_space<vmem>>
    %dma_wait3A_195 = arith.constant 0 : i32
    %dma_wait3A_196 = tpu.memref_slice %arg4[%add3A_176, %dma_wait3A_195] : memref<425984x16xf32, #tpu.memory_space<hbm>> -> memref<1664x16xf32, #tpu.memory_space<hbm>>
    %dma_wait3A_197 = arith.constant 0 : i32
    %dma_wait3A_198 = tpu.memref_slice %arg4[%add3A_176, %dma_wait3A_197] : memref<425984x16xf32, #tpu.memory_space<hbm>> -> memref<1664x16xf32, #tpu.memory_space<hbm>>
    %dma_wait3A_199 = arith.constant 0 : i32
    %dma_wait3A_200 = arith.constant 0 : i32
    %dma_wait3A_201 = tpu.memref_slice %arg6[%dma_wait3A_190, %dma_wait3A_199, %dma_wait3A_200] : memref<2x1664x16xf32, #tpu.memory_space<vmem>> -> memref<1x1664x16xf32, #tpu.memory_space<vmem>>
    %dma_wait3A_202 = tpu.memref_squeeze %dma_wait3A_201 : memref<1x1664x16xf32, #tpu.memory_space<vmem>> -> memref<1664x16xf32, #tpu.memory_space<vmem>>
    tpu.wait_dma2 semaphore(%arg10 : memref<!tpu.dma_semaphore, #tpu.memory_space<semaphore_mem>>) src(%dma_wait3A_202 : memref<1664x16xf32, #tpu.memory_space<vmem>>) dst(%dma_wait3A_198 : memref<1664x16xf32, #tpu.memory_space<hbm>>)
    %dma_start3A_203 = arith.constant 1 : i32
    %dma_start3A_204 = arith.constant 0 : i32
    %dma_start3A_205 = arith.constant 0 : i32
    %dma_start3A_206 = tpu.memref_slice %arg6[%dma_start3A_203, %dma_start3A_204, %dma_start3A_205] : memref<2x1664x16xf32, #tpu.memory_space<vmem>> -> memref<1x1664x16xf32, #tpu.memory_space<vmem>>
    %dma_start3A_207 = tpu.memref_squeeze %dma_start3A_206 : memref<1x1664x16xf32, #tpu.memory_space<vmem>> -> memref<1664x16xf32, #tpu.memory_space<vmem>>
    %dma_start3A_208 = arith.constant 8320 : i32
    %dma_start3A_209 = tpu.memref_slice %arg5[%dma_start3A_208] : memref<13312xi32, #tpu.memory_space<vmem>> -> memref<1664xi32, #tpu.memory_space<vmem>>
    %dma_start3A_210 = arith.constant 0 : i32
    %dma_start3A_211 = arith.constant 0 : i32
    %dma_start3A_212 = tpu.memref_slice %arg3[%dma_start3A_210, %dma_start3A_211] : memref<2600000x16xf32, #tpu.memory_space<hbm>> -> memref<2600000x16xf32, #tpu.memory_space<hbm>>
    tpu.enqueue_indirect_dma source(%dma_start3A_212 : memref<2600000x16xf32, #tpu.memory_space<hbm>>) target(%dma_start3A_207 : memref<1664x16xf32, #tpu.memory_space<vmem>>) offsets(%dma_start3A_209 : memref<1664xi32, #tpu.memory_space<vmem>>) semaphore(%arg8 : memref<!tpu.dma_semaphore, #tpu.memory_space<semaphore_mem>>)
    %dma_wait3A_213 = arith.constant 0 : i32
    %dma_wait3A_214 = arith.constant 0 : i32
    %dma_wait3A_215 = arith.constant 0 : i32
    %dma_wait3A_216 = tpu.memref_slice %arg6[%dma_wait3A_213, %dma_wait3A_214, %dma_wait3A_215] : memref<2x1664x16xf32, #tpu.memory_space<vmem>> -> memref<1x1664x16xf32, #tpu.memory_space<vmem>>
    %dma_wait3A_217 = tpu.memref_squeeze %dma_wait3A_216 : memref<1x1664x16xf32, #tpu.memory_space<vmem>> -> memref<1664x16xf32, #tpu.memory_space<vmem>>
    %dma_wait3A_218 = arith.constant 6656 : i32
    %dma_wait3A_219 = tpu.memref_slice %arg5[%dma_wait3A_218] : memref<13312xi32, #tpu.memory_space<vmem>> -> memref<1664xi32, #tpu.memory_space<vmem>>
    %dma_wait3A_220 = arith.constant 0 : i32
    %dma_wait3A_221 = arith.constant 0 : i32
    %dma_wait3A_222 = tpu.memref_slice %arg3[%dma_wait3A_220, %dma_wait3A_221] : memref<2600000x16xf32, #tpu.memory_space<hbm>> -> memref<2600000x16xf32, #tpu.memory_space<hbm>>
    tpu.wait_indirect_dma semaphore(%arg7 : memref<!tpu.dma_semaphore, #tpu.memory_space<semaphore_mem>>) src(%dma_wait3A_222 : memref<2600000x16xf32, #tpu.memory_space<hbm>>) dst(%dma_wait3A_217 : memref<1664x16xf32, #tpu.memory_space<vmem>>)
    %add3A_223 = arith.constant 6656 : i32
    %add3A_224 = arith.addi %mul3A_2, %add3A_223 : i32
    %dma_start3A_225 = arith.constant 0 : i32
    %dma_start3A_226 = arith.constant 0 : i32
    %dma_start3A_227 = arith.constant 0 : i32
    %dma_start3A_228 = tpu.memref_slice %arg6[%dma_start3A_225, %dma_start3A_226, %dma_start3A_227] : memref<2x1664x16xf32, #tpu.memory_space<vmem>> -> memref<1x1664x16xf32, #tpu.memory_space<vmem>>
    %dma_start3A_229 = tpu.memref_squeeze %dma_start3A_228 : memref<1x1664x16xf32, #tpu.memory_space<vmem>> -> memref<1664x16xf32, #tpu.memory_space<vmem>>
    %dma_start3A_230 = arith.constant 0 : i32
    %dma_start3A_231 = tpu.memref_slice %arg4[%add3A_224, %dma_start3A_230] : memref<425984x16xf32, #tpu.memory_space<hbm>> -> memref<1664x16xf32, #tpu.memory_space<hbm>>
    %dma_start3A_232 = arith.constant 0 : i32
    %dma_start3A_233 = tpu.memref_slice %arg4[%add3A_224, %dma_start3A_232] : memref<425984x16xf32, #tpu.memory_space<hbm>> -> memref<1664x16xf32, #tpu.memory_space<hbm>>
    %dma_start3A_234 = arith.constant 0 : i32
    %dma_start3A_235 = arith.constant 0 : i32
    %dma_start3A_236 = tpu.memref_slice %arg6[%dma_start3A_225, %dma_start3A_234, %dma_start3A_235] : memref<2x1664x16xf32, #tpu.memory_space<vmem>> -> memref<1x1664x16xf32, #tpu.memory_space<vmem>>
    %dma_start3A_237 = tpu.memref_squeeze %dma_start3A_236 : memref<1x1664x16xf32, #tpu.memory_space<vmem>> -> memref<1664x16xf32, #tpu.memory_space<vmem>>
    tpu.enqueue_dma source(%dma_start3A_237 : memref<1664x16xf32, #tpu.memory_space<vmem>>) target(%dma_start3A_233 : memref<1664x16xf32, #tpu.memory_space<hbm>>) target_semaphore(%arg9 : memref<!tpu.dma_semaphore, #tpu.memory_space<semaphore_mem>>)
    %dma_wait3A_238 = arith.constant 0 : i32
    %dma_wait3A_239 = arith.constant 0 : i32
    %dma_wait3A_240 = arith.constant 0 : i32
    %dma_wait3A_241 = tpu.memref_slice %arg6[%dma_wait3A_238, %dma_wait3A_239, %dma_wait3A_240] : memref<2x1664x16xf32, #tpu.memory_space<vmem>> -> memref<1x1664x16xf32, #tpu.memory_space<vmem>>
    %dma_wait3A_242 = tpu.memref_squeeze %dma_wait3A_241 : memref<1x1664x16xf32, #tpu.memory_space<vmem>> -> memref<1664x16xf32, #tpu.memory_space<vmem>>
    %dma_wait3A_243 = arith.constant 0 : i32
    %dma_wait3A_244 = tpu.memref_slice %arg4[%add3A_224, %dma_wait3A_243] : memref<425984x16xf32, #tpu.memory_space<hbm>> -> memref<1664x16xf32, #tpu.memory_space<hbm>>
    %dma_wait3A_245 = arith.constant 0 : i32
    %dma_wait3A_246 = tpu.memref_slice %arg4[%add3A_224, %dma_wait3A_245] : memref<425984x16xf32, #tpu.memory_space<hbm>> -> memref<1664x16xf32, #tpu.memory_space<hbm>>
    %dma_wait3A_247 = arith.constant 0 : i32
    %dma_wait3A_248 = arith.constant 0 : i32
    %dma_wait3A_249 = tpu.memref_slice %arg6[%dma_wait3A_238, %dma_wait3A_247, %dma_wait3A_248] : memref<2x1664x16xf32, #tpu.memory_space<vmem>> -> memref<1x1664x16xf32, #tpu.memory_space<vmem>>
    %dma_wait3A_250 = tpu.memref_squeeze %dma_wait3A_249 : memref<1x1664x16xf32, #tpu.memory_space<vmem>> -> memref<1664x16xf32, #tpu.memory_space<vmem>>
    tpu.wait_dma2 semaphore(%arg9 : memref<!tpu.dma_semaphore, #tpu.memory_space<semaphore_mem>>) src(%dma_wait3A_250 : memref<1664x16xf32, #tpu.memory_space<vmem>>) dst(%dma_wait3A_246 : memref<1664x16xf32, #tpu.memory_space<hbm>>)
    %dma_start3A_251 = arith.constant 0 : i32
    %dma_start3A_252 = arith.constant 0 : i32
    %dma_start3A_253 = arith.constant 0 : i32
    %dma_start3A_254 = tpu.memref_slice %arg6[%dma_start3A_251, %dma_start3A_252, %dma_start3A_253] : memref<2x1664x16xf32, #tpu.memory_space<vmem>> -> memref<1x1664x16xf32, #tpu.memory_space<vmem>>
    %dma_start3A_255 = tpu.memref_squeeze %dma_start3A_254 : memref<1x1664x16xf32, #tpu.memory_space<vmem>> -> memref<1664x16xf32, #tpu.memory_space<vmem>>
    %dma_start3A_256 = arith.constant 9984 : i32
    %dma_start3A_257 = tpu.memref_slice %arg5[%dma_start3A_256] : memref<13312xi32, #tpu.memory_space<vmem>> -> memref<1664xi32, #tpu.memory_space<vmem>>
    %dma_start3A_258 = arith.constant 0 : i32
    %dma_start3A_259 = arith.constant 0 : i32
    %dma_start3A_260 = tpu.memref_slice %arg3[%dma_start3A_258, %dma_start3A_259] : memref<2600000x16xf32, #tpu.memory_space<hbm>> -> memref<2600000x16xf32, #tpu.memory_space<hbm>>
    tpu.enqueue_indirect_dma source(%dma_start3A_260 : memref<2600000x16xf32, #tpu.memory_space<hbm>>) target(%dma_start3A_255 : memref<1664x16xf32, #tpu.memory_space<vmem>>) offsets(%dma_start3A_257 : memref<1664xi32, #tpu.memory_space<vmem>>) semaphore(%arg7 : memref<!tpu.dma_semaphore, #tpu.memory_space<semaphore_mem>>)
    %dma_wait3A_261 = arith.constant 1 : i32
    %dma_wait3A_262 = arith.constant 0 : i32
    %dma_wait3A_263 = arith.constant 0 : i32
    %dma_wait3A_264 = tpu.memref_slice %arg6[%dma_wait3A_261, %dma_wait3A_262, %dma_wait3A_263] : memref<2x1664x16xf32, #tpu.memory_space<vmem>> -> memref<1x1664x16xf32, #tpu.memory_space<vmem>>
    %dma_wait3A_265 = tpu.memref_squeeze %dma_wait3A_264 : memref<1x1664x16xf32, #tpu.memory_space<vmem>> -> memref<1664x16xf32, #tpu.memory_space<vmem>>
    %dma_wait3A_266 = arith.constant 8320 : i32
    %dma_wait3A_267 = tpu.memref_slice %arg5[%dma_wait3A_266] : memref<13312xi32, #tpu.memory_space<vmem>> -> memref<1664xi32, #tpu.memory_space<vmem>>
    %dma_wait3A_268 = arith.constant 0 : i32
    %dma_wait3A_269 = arith.constant 0 : i32
    %dma_wait3A_270 = tpu.memref_slice %arg3[%dma_wait3A_268, %dma_wait3A_269] : memref<2600000x16xf32, #tpu.memory_space<hbm>> -> memref<2600000x16xf32, #tpu.memory_space<hbm>>
    tpu.wait_indirect_dma semaphore(%arg8 : memref<!tpu.dma_semaphore, #tpu.memory_space<semaphore_mem>>) src(%dma_wait3A_270 : memref<2600000x16xf32, #tpu.memory_space<hbm>>) dst(%dma_wait3A_265 : memref<1664x16xf32, #tpu.memory_space<vmem>>)
    %add3A_271 = arith.constant 8320 : i32
    %add3A_272 = arith.addi %mul3A_2, %add3A_271 : i32
    %dma_start3A_273 = arith.constant 1 : i32
    %dma_start3A_274 = arith.constant 0 : i32
    %dma_start3A_275 = arith.constant 0 : i32
    %dma_start3A_276 = tpu.memref_slice %arg6[%dma_start3A_273, %dma_start3A_274, %dma_start3A_275] : memref<2x1664x16xf32, #tpu.memory_space<vmem>> -> memref<1x1664x16xf32, #tpu.memory_space<vmem>>
    %dma_start3A_277 = tpu.memref_squeeze %dma_start3A_276 : memref<1x1664x16xf32, #tpu.memory_space<vmem>> -> memref<1664x16xf32, #tpu.memory_space<vmem>>
    %dma_start3A_278 = arith.constant 0 : i32
    %dma_start3A_279 = tpu.memref_slice %arg4[%add3A_272, %dma_start3A_278] : memref<425984x16xf32, #tpu.memory_space<hbm>> -> memref<1664x16xf32, #tpu.memory_space<hbm>>
    %dma_start3A_280 = arith.constant 0 : i32
    %dma_start3A_281 = tpu.memref_slice %arg4[%add3A_272, %dma_start3A_280] : memref<425984x16xf32, #tpu.memory_space<hbm>> -> memref<1664x16xf32, #tpu.memory_space<hbm>>
    %dma_start3A_282 = arith.constant 0 : i32
    %dma_start3A_283 = arith.constant 0 : i32
    %dma_start3A_284 = tpu.memref_slice %arg6[%dma_start3A_273, %dma_start3A_282, %dma_start3A_283] : memref<2x1664x16xf32, #tpu.memory_space<vmem>> -> memref<1x1664x16xf32, #tpu.memory_space<vmem>>
    %dma_start3A_285 = tpu.memref_squeeze %dma_start3A_284 : memref<1x1664x16xf32, #tpu.memory_space<vmem>> -> memref<1664x16xf32, #tpu.memory_space<vmem>>
    tpu.enqueue_dma source(%dma_start3A_285 : memref<1664x16xf32, #tpu.memory_space<vmem>>) target(%dma_start3A_281 : memref<1664x16xf32, #tpu.memory_space<hbm>>) target_semaphore(%arg10 : memref<!tpu.dma_semaphore, #tpu.memory_space<semaphore_mem>>)
    %dma_wait3A_286 = arith.constant 1 : i32
    %dma_wait3A_287 = arith.constant 0 : i32
    %dma_wait3A_288 = arith.constant 0 : i32
    %dma_wait3A_289 = tpu.memref_slice %arg6[%dma_wait3A_286, %dma_wait3A_287, %dma_wait3A_288] : memref<2x1664x16xf32, #tpu.memory_space<vmem>> -> memref<1x1664x16xf32, #tpu.memory_space<vmem>>
    %dma_wait3A_290 = tpu.memref_squeeze %dma_wait3A_289 : memref<1x1664x16xf32, #tpu.memory_space<vmem>> -> memref<1664x16xf32, #tpu.memory_space<vmem>>
    %dma_wait3A_291 = arith.constant 0 : i32
    %dma_wait3A_292 = tpu.memref_slice %arg4[%add3A_272, %dma_wait3A_291] : memref<425984x16xf32, #tpu.memory_space<hbm>> -> memref<1664x16xf32, #tpu.memory_space<hbm>>
    %dma_wait3A_293 = arith.constant 0 : i32
    %dma_wait3A_294 = tpu.memref_slice %arg4[%add3A_272, %dma_wait3A_293] : memref<425984x16xf32, #tpu.memory_space<hbm>> -> memref<1664x16xf32, #tpu.memory_space<hbm>>
    %dma_wait3A_295 = arith.constant 0 : i32
    %dma_wait3A_296 = arith.constant 0 : i32
    %dma_wait3A_297 = tpu.memref_slice %arg6[%dma_wait3A_286, %dma_wait3A_295, %dma_wait3A_296] : memref<2x1664x16xf32, #tpu.memory_space<vmem>> -> memref<1x1664x16xf32, #tpu.memory_space<vmem>>
    %dma_wait3A_298 = tpu.memref_squeeze %dma_wait3A_297 : memref<1x1664x16xf32, #tpu.memory_space<vmem>> -> memref<1664x16xf32, #tpu.memory_space<vmem>>
    tpu.wait_dma2 semaphore(%arg10 : memref<!tpu.dma_semaphore, #tpu.memory_space<semaphore_mem>>) src(%dma_wait3A_298 : memref<1664x16xf32, #tpu.memory_space<vmem>>) dst(%dma_wait3A_294 : memref<1664x16xf32, #tpu.memory_space<hbm>>)
    %dma_start3A_299 = arith.constant 1 : i32
    %dma_start3A_300 = arith.constant 0 : i32
    %dma_start3A_301 = arith.constant 0 : i32
    %dma_start3A_302 = tpu.memref_slice %arg6[%dma_start3A_299, %dma_start3A_300, %dma_start3A_301] : memref<2x1664x16xf32, #tpu.memory_space<vmem>> -> memref<1x1664x16xf32, #tpu.memory_space<vmem>>
    %dma_start3A_303 = tpu.memref_squeeze %dma_start3A_302 : memref<1x1664x16xf32, #tpu.memory_space<vmem>> -> memref<1664x16xf32, #tpu.memory_space<vmem>>
    %dma_start3A_304 = arith.constant 11648 : i32
    %dma_start3A_305 = tpu.memref_slice %arg5[%dma_start3A_304] : memref<13312xi32, #tpu.memory_space<vmem>> -> memref<1664xi32, #tpu.memory_space<vmem>>
    %dma_start3A_306 = arith.constant 0 : i32
    %dma_start3A_307 = arith.constant 0 : i32
    %dma_start3A_308 = tpu.memref_slice %arg3[%dma_start3A_306, %dma_start3A_307] : memref<2600000x16xf32, #tpu.memory_space<hbm>> -> memref<2600000x16xf32, #tpu.memory_space<hbm>>
    tpu.enqueue_indirect_dma source(%dma_start3A_308 : memref<2600000x16xf32, #tpu.memory_space<hbm>>) target(%dma_start3A_303 : memref<1664x16xf32, #tpu.memory_space<vmem>>) offsets(%dma_start3A_305 : memref<1664xi32, #tpu.memory_space<vmem>>) semaphore(%arg8 : memref<!tpu.dma_semaphore, #tpu.memory_space<semaphore_mem>>)
    %dma_wait3A_309 = arith.constant 0 : i32
    %dma_wait3A_310 = arith.constant 0 : i32
    %dma_wait3A_311 = arith.constant 0 : i32
    %dma_wait3A_312 = tpu.memref_slice %arg6[%dma_wait3A_309, %dma_wait3A_310, %dma_wait3A_311] : memref<2x1664x16xf32, #tpu.memory_space<vmem>> -> memref<1x1664x16xf32, #tpu.memory_space<vmem>>
    %dma_wait3A_313 = tpu.memref_squeeze %dma_wait3A_312 : memref<1x1664x16xf32, #tpu.memory_space<vmem>> -> memref<1664x16xf32, #tpu.memory_space<vmem>>
    %dma_wait3A_314 = arith.constant 9984 : i32
    %dma_wait3A_315 = tpu.memref_slice %arg5[%dma_wait3A_314] : memref<13312xi32, #tpu.memory_space<vmem>> -> memref<1664xi32, #tpu.memory_space<vmem>>
    %dma_wait3A_316 = arith.constant 0 : i32
    %dma_wait3A_317 = arith.constant 0 : i32
    %dma_wait3A_318 = tpu.memref_slice %arg3[%dma_wait3A_316, %dma_wait3A_317] : memref<2600000x16xf32, #tpu.memory_space<hbm>> -> memref<2600000x16xf32, #tpu.memory_space<hbm>>
    tpu.wait_indirect_dma semaphore(%arg7 : memref<!tpu.dma_semaphore, #tpu.memory_space<semaphore_mem>>) src(%dma_wait3A_318 : memref<2600000x16xf32, #tpu.memory_space<hbm>>) dst(%dma_wait3A_313 : memref<1664x16xf32, #tpu.memory_space<vmem>>)
    %add3A_319 = arith.constant 9984 : i32
    %add3A_320 = arith.addi %mul3A_2, %add3A_319 : i32
    %dma_start3A_321 = arith.constant 0 : i32
    %dma_start3A_322 = arith.constant 0 : i32
    %dma_start3A_323 = arith.constant 0 : i32
    %dma_start3A_324 = tpu.memref_slice %arg6[%dma_start3A_321, %dma_start3A_322, %dma_start3A_323] : memref<2x1664x16xf32, #tpu.memory_space<vmem>> -> memref<1x1664x16xf32, #tpu.memory_space<vmem>>
    %dma_start3A_325 = tpu.memref_squeeze %dma_start3A_324 : memref<1x1664x16xf32, #tpu.memory_space<vmem>> -> memref<1664x16xf32, #tpu.memory_space<vmem>>
    %dma_start3A_326 = arith.constant 0 : i32
    %dma_start3A_327 = tpu.memref_slice %arg4[%add3A_320, %dma_start3A_326] : memref<425984x16xf32, #tpu.memory_space<hbm>> -> memref<1664x16xf32, #tpu.memory_space<hbm>>
    %dma_start3A_328 = arith.constant 0 : i32
    %dma_start3A_329 = tpu.memref_slice %arg4[%add3A_320, %dma_start3A_328] : memref<425984x16xf32, #tpu.memory_space<hbm>> -> memref<1664x16xf32, #tpu.memory_space<hbm>>
    %dma_start3A_330 = arith.constant 0 : i32
    %dma_start3A_331 = arith.constant 0 : i32
    %dma_start3A_332 = tpu.memref_slice %arg6[%dma_start3A_321, %dma_start3A_330, %dma_start3A_331] : memref<2x1664x16xf32, #tpu.memory_space<vmem>> -> memref<1x1664x16xf32, #tpu.memory_space<vmem>>
    %dma_start3A_333 = tpu.memref_squeeze %dma_start3A_332 : memref<1x1664x16xf32, #tpu.memory_space<vmem>> -> memref<1664x16xf32, #tpu.memory_space<vmem>>
    tpu.enqueue_dma source(%dma_start3A_333 : memref<1664x16xf32, #tpu.memory_space<vmem>>) target(%dma_start3A_329 : memref<1664x16xf32, #tpu.memory_space<hbm>>) target_semaphore(%arg9 : memref<!tpu.dma_semaphore, #tpu.memory_space<semaphore_mem>>)
    %dma_wait3A_334 = arith.constant 1 : i32
    %dma_wait3A_335 = arith.constant 0 : i32
    %dma_wait3A_336 = arith.constant 0 : i32
    %dma_wait3A_337 = tpu.memref_slice %arg6[%dma_wait3A_334, %dma_wait3A_335, %dma_wait3A_336] : memref<2x1664x16xf32, #tpu.memory_space<vmem>> -> memref<1x1664x16xf32, #tpu.memory_space<vmem>>
    %dma_wait3A_338 = tpu.memref_squeeze %dma_wait3A_337 : memref<1x1664x16xf32, #tpu.memory_space<vmem>> -> memref<1664x16xf32, #tpu.memory_space<vmem>>
    %dma_wait3A_339 = arith.constant 11648 : i32
    %dma_wait3A_340 = tpu.memref_slice %arg5[%dma_wait3A_339] : memref<13312xi32, #tpu.memory_space<vmem>> -> memref<1664xi32, #tpu.memory_space<vmem>>
    %dma_wait3A_341 = arith.constant 0 : i32
    %dma_wait3A_342 = arith.constant 0 : i32
    %dma_wait3A_343 = tpu.memref_slice %arg3[%dma_wait3A_341, %dma_wait3A_342] : memref<2600000x16xf32, #tpu.memory_space<hbm>> -> memref<2600000x16xf32, #tpu.memory_space<hbm>>
    tpu.wait_indirect_dma semaphore(%arg8 : memref<!tpu.dma_semaphore, #tpu.memory_space<semaphore_mem>>) src(%dma_wait3A_343 : memref<2600000x16xf32, #tpu.memory_space<hbm>>) dst(%dma_wait3A_338 : memref<1664x16xf32, #tpu.memory_space<vmem>>)
    %add3A_344 = arith.constant 11648 : i32
    %add3A_345 = arith.addi %mul3A_2, %add3A_344 : i32
    %dma_start3A_346 = arith.constant 1 : i32
    %dma_start3A_347 = arith.constant 0 : i32
    %dma_start3A_348 = arith.constant 0 : i32
    %dma_start3A_349 = tpu.memref_slice %arg6[%dma_start3A_346, %dma_start3A_347, %dma_start3A_348] : memref<2x1664x16xf32, #tpu.memory_space<vmem>> -> memref<1x1664x16xf32, #tpu.memory_space<vmem>>
    %dma_start3A_350 = tpu.memref_squeeze %dma_start3A_349 : memref<1x1664x16xf32, #tpu.memory_space<vmem>> -> memref<1664x16xf32, #tpu.memory_space<vmem>>
    %dma_start3A_351 = arith.constant 0 : i32
    %dma_start3A_352 = tpu.memref_slice %arg4[%add3A_345, %dma_start3A_351] : memref<425984x16xf32, #tpu.memory_space<hbm>> -> memref<1664x16xf32, #tpu.memory_space<hbm>>
    %dma_start3A_353 = arith.constant 0 : i32
    %dma_start3A_354 = tpu.memref_slice %arg4[%add3A_345, %dma_start3A_353] : memref<425984x16xf32, #tpu.memory_space<hbm>> -> memref<1664x16xf32, #tpu.memory_space<hbm>>
    %dma_start3A_355 = arith.constant 0 : i32
    %dma_start3A_356 = arith.constant 0 : i32
    %dma_start3A_357 = tpu.memref_slice %arg6[%dma_start3A_346, %dma_start3A_355, %dma_start3A_356] : memref<2x1664x16xf32, #tpu.memory_space<vmem>> -> memref<1x1664x16xf32, #tpu.memory_space<vmem>>
    %dma_start3A_358 = tpu.memref_squeeze %dma_start3A_357 : memref<1x1664x16xf32, #tpu.memory_space<vmem>> -> memref<1664x16xf32, #tpu.memory_space<vmem>>
    tpu.enqueue_dma source(%dma_start3A_358 : memref<1664x16xf32, #tpu.memory_space<vmem>>) target(%dma_start3A_354 : memref<1664x16xf32, #tpu.memory_space<hbm>>) target_semaphore(%arg10 : memref<!tpu.dma_semaphore, #tpu.memory_space<semaphore_mem>>)
    %dma_wait3A_359 = arith.constant 0 : i32
    %dma_wait3A_360 = arith.constant 0 : i32
    %dma_wait3A_361 = arith.constant 0 : i32
    %dma_wait3A_362 = tpu.memref_slice %arg6[%dma_wait3A_359, %dma_wait3A_360, %dma_wait3A_361] : memref<2x1664x16xf32, #tpu.memory_space<vmem>> -> memref<1x1664x16xf32, #tpu.memory_space<vmem>>
    %dma_wait3A_363 = tpu.memref_squeeze %dma_wait3A_362 : memref<1x1664x16xf32, #tpu.memory_space<vmem>> -> memref<1664x16xf32, #tpu.memory_space<vmem>>
    %dma_wait3A_364 = arith.constant 0 : i32
    %dma_wait3A_365 = tpu.memref_slice %arg4[%add3A_320, %dma_wait3A_364] : memref<425984x16xf32, #tpu.memory_space<hbm>> -> memref<1664x16xf32, #tpu.memory_space<hbm>>
    %dma_wait3A_366 = arith.constant 0 : i32
    %dma_wait3A_367 = tpu.memref_slice %arg4[%add3A_320, %dma_wait3A_366] : memref<425984x16xf32, #tpu.memory_space<hbm>> -> memref<1664x16xf32, #tpu.memory_space<hbm>>
    %dma_wait3A_368 = arith.constant 0 : i32
    %dma_wait3A_369 = arith.constant 0 : i32
    %dma_wait3A_370 = tpu.memref_slice %arg6[%dma_wait3A_359, %dma_wait3A_368, %dma_wait3A_369] : memref<2x1664x16xf32, #tpu.memory_space<vmem>> -> memref<1x1664x16xf32, #tpu.memory_space<vmem>>
    %dma_wait3A_371 = tpu.memref_squeeze %dma_wait3A_370 : memref<1x1664x16xf32, #tpu.memory_space<vmem>> -> memref<1664x16xf32, #tpu.memory_space<vmem>>
    tpu.wait_dma2 semaphore(%arg9 : memref<!tpu.dma_semaphore, #tpu.memory_space<semaphore_mem>>) src(%dma_wait3A_371 : memref<1664x16xf32, #tpu.memory_space<vmem>>) dst(%dma_wait3A_367 : memref<1664x16xf32, #tpu.memory_space<hbm>>)
    %dma_wait3A_372 = arith.constant 1 : i32
    %dma_wait3A_373 = arith.constant 0 : i32
    %dma_wait3A_374 = arith.constant 0 : i32
    %dma_wait3A_375 = tpu.memref_slice %arg6[%dma_wait3A_372, %dma_wait3A_373, %dma_wait3A_374] : memref<2x1664x16xf32, #tpu.memory_space<vmem>> -> memref<1x1664x16xf32, #tpu.memory_space<vmem>>
    %dma_wait3A_376 = tpu.memref_squeeze %dma_wait3A_375 : memref<1x1664x16xf32, #tpu.memory_space<vmem>> -> memref<1664x16xf32, #tpu.memory_space<vmem>>
    %dma_wait3A_377 = arith.constant 0 : i32
    %dma_wait3A_378 = tpu.memref_slice %arg4[%add3A_345, %dma_wait3A_377] : memref<425984x16xf32, #tpu.memory_space<hbm>> -> memref<1664x16xf32, #tpu.memory_space<hbm>>
    %dma_wait3A_379 = arith.constant 0 : i32
    %dma_wait3A_380 = tpu.memref_slice %arg4[%add3A_345, %dma_wait3A_379] : memref<425984x16xf32, #tpu.memory_space<hbm>> -> memref<1664x16xf32, #tpu.memory_space<hbm>>
    %dma_wait3A_381 = arith.constant 0 : i32
    %dma_wait3A_382 = arith.constant 0 : i32
    %dma_wait3A_383 = tpu.memref_slice %arg6[%dma_wait3A_372, %dma_wait3A_381, %dma_wait3A_382] : memref<2x1664x16xf32, #tpu.memory_space<vmem>> -> memref<1x1664x16xf32, #tpu.memory_space<vmem>>
    %dma_wait3A_384 = tpu.memref_squeeze %dma_wait3A_383 : memref<1x1664x16xf32, #tpu.memory_space<vmem>> -> memref<1664x16xf32, #tpu.memory_space<vmem>>
    tpu.wait_dma2 semaphore(%arg10 : memref<!tpu.dma_semaphore, #tpu.memory_space<semaphore_mem>>) src(%dma_wait3A_384 : memref<1664x16xf32, #tpu.memory_space<vmem>>) dst(%dma_wait3A_380 : memref<1664x16xf32, #tpu.memory_space<hbm>>)
    return
  }
}

</mosaic_0001>

<sc_bundles>
// kernel: kernel.3.cloned.1.call-start
scs
__scs_entry_jumppad:
0x0: {  	(pc) =	sbr.rel $0x88, $3  }
0x1: {  	(tag) =	ssettag $0x0;
	lr =	simm.s32 $0x1  }
0x2: {  	[smem:$0x3F9F] =	sst lr;
	_ =	strace $0xD0000000  }
0x3: {  	_ = 	snop  }
0x4: {  	_ = 	snop  }
0x5: {  	_ = 	snop  }
0x6: {  	_ = 	snop  }
0x7: {  	_ = 	snop  }
__scs_overlays_trampoline_lowered:
0x8: {  	[smem:$0x3FAE] =	sst s0  }
0x9: {  	[smem:$0x3FAF] =	sst s1  }
0xa: {  	[smem:$0x3FB0] =	sst s2  }
0xb: {  	[smem:$0x3FB1] =	sst s3  }
0xc: {  	[smem:$0x3FB2] =	sst s4  }
0xd: {  	[smem:$0x3FB3] =	sst s5  }
0xe: {  	[smem:$0x3FB4] =	sst s6  }
0xf: {  	[smem:$0x3FB5] =	sst s7  }
0x10: {  	[smem:$0x3FB6] =	sst s8  }
0x11: {  	[smem:$0x3FB7] =	sst s9;
	s0 =	simm.s32 @!p0 $0x0  }
0x12: {  	s1 =	sld [smem:$0x3F9D];
	s0 =	simm.s32 @p0 $0x1  }
0x13: {  	[smem:$0x3FB8] =	sst s0;
	s0 =	simm.s32 @!p1 $0x0  }
0x14: {  	s2 =	sld [smem:$0x3F9C];
	s0 =	simm.s32 @p1 $0x1  }
0x15: {  	[smem:$0x3FB9] =	sst s0;
	s0 =	simm.s32 @!p2 $0x0  }
0x16: {  	s3 =	sld [smem:$0x3FDB];
	s0 =	simm.s32 @p2 $0x1  }
0x17: {  	s4 =	simm.s32 $0x1BF5;
	[smem:$0x3FBB] =	sst s0  }
0x18: {  	s0 =	sld [smem:$0x3F9E];
	_ =	swait.ge [sflag:s4], $0x0  }
0x19: {  	s7 =	sld [smem:$0x3F9F]  }
0x1a: {  	s8 =	sadd.s32 $0xFFFFE003, lr  }
0x1b: {  	s9 =	sadd.s32 $0xFFFFFEF7, lr;
	s5 =	simm.s32 $0xFFFFFFFF;
	p2 =	slt.u32 s8, $0xFFFFF086  }
0x1c: {  	p1 =	slt.u32 s9, $0xF7A;
	s5 =	simm.s32 @!p2 $0x0  }
0x1d: {  	s5 =	simm.s32 @p1 $0x1;
	p0 =	seq.s32 s7, s2  }
0x1e: {  	s7 =	smul.u32 @!p0 $0xF7A, s2;
	p2 =	seq.s32 @!p0 s5, $0x0  }
0x1f: {  	s9 =	smul.u32 $0xF7A, s1;
	s8 =	simm.s32 @!p0 $0x1BF5;
	p2 =	por !p2, p0  }
0x20: {  	[sflag:s8] =	ssyncset.s32 @!p0 $0xFFFFF086;
	s6 =	sadd.s32 @!p0 s3, s7;
	s7 =	simm.s32 @!p0 $0x108  }
0x21: {  	s3 =	sadd.s32 s3, s9;
	s6 =	sadd.s32 @!p0 $0x88, s6;
	s7 =	simm.s32 @p2 $0x1082  }
0x22: {  	[simem:s7], [sflag:s8] =	dma.local @!p0 [hbm:s6], $0xF7A  }
0x23: {  	s9 =	sor.u32 $0xD0000000, s2;
	s6 =	simm.s32 $0x108;
	_ =	swait.ge @!p0 [sflag:s8], $0x0  }
0x24: {  	s3 =	sadd.s32 $0x88, s3;
	s6 =	simm.s32 @!p1 $0x1082;
	[sflag:s4] =	ssyncset.s32 $0xFFFFF086  }
0x25: {  	[simem:s6], [sflag:s4] =	dma.local [hbm:s3], $0xF7A  }
0x26: {  	[smem:$0x3F9F] =	sst s1;
	(tag) =	ssettag s2;
	_ =	strace s9  }
0x27: {  	s1 =	sld [smem:$0x3FAF]  }
0x28: {  	s2 =	sld [smem:$0x3FB0]  }
0x29: {  	s4 =	sld [smem:$0x3FB2]  }
0x2a: {  	p0 =	seq.s32 s5, $0x0;
	s5 =	sld [smem:$0x3FB3]  }
0x2b: {  	s6 =	sld [smem:$0x3FB4]  }
0x2c: {  	s7 =	sld [smem:$0x3FB5]  }
0x2d: {  	s3 =	simm.s32 $0x108;
	s8 =	sld [smem:$0x3FB6]  }
0x2e: {  	s3 =	simm.s32 @!p0 $0x1082;
	s9 =	sld [smem:$0x3FB7]  }
0x2f: {  	lr =	sadd.s32 s0, s3;
	s0 =	sld [smem:$0x3FAE]  }
0x30: {  	s3 =	sld [smem:$0x3FB1]  }
0x31: {  	[smem:$0x3FBA] =	sst s10  }
0x32: {  	s10 =	sld [smem:$0x3FB8];
	_ =	sdelay $0x3  }
0x33: {  	p0 =	seq.s32 s10, $0x1;
	s10 =	sld [smem:$0x3FBA];
	_ =	sdelay $0x3  }
0x34: {  	[smem:$0x3FBA] =	sst s10  }
0x35: {  	s10 =	sld [smem:$0x3FB9];
	_ =	sdelay $0x3  }
0x36: {  	p1 =	seq.s32 s10, $0x1;
	s10 =	sld [smem:$0x3FBA];
	_ =	sdelay $0x3  }
0x37: {  	[smem:$0x3FBA] =	sst s10  }
0x38: {  	s10 =	sld [smem:$0x3FBB]  }
0x39: {  	_ = 	snop;
	(pc) =	sbr.ind lr, $3  }
0x3a: {  	_ = 	snop  }
0x3b: {  	_ = 	snop  }
0x3c: {  	p2 =	seq.s32 s10, $0x1;
	s10 =	sld [smem:$0x3FBA]  }
0x3d: {  	_ =	shalt  }
0x3e: {  	_ =	shalt  }
0x3f: {  	_ =	shalt  }
0x40: {  	_ =	shalt  }
0x41: {  	_ =	shalt  }
0x42: {  	_ =	shalt  }
0x43: {  	_ =	shalt  }
0x44: {  	_ =	shalt  }
0x45: {  	_ =	shalt  }
0x46: {  	_ =	shalt  }
0x47: {  	_ =	shalt  }
0x48: {  	_ =	shalt  }
0x49: {  	_ =	shalt  }
0x4a: {  	_ =	shalt  }
0x4b: {  	_ =	shalt  }
0x4c: {  	_ =	shalt  }
0x4d: {  	_ =	shalt  }
0x4e: {  	_ =	shalt  }
0x4f: {  	_ =	shalt  }
0x50: {  	_ =	shalt  }
0x51: {  	_ =	shalt  }
0x52: {  	_ =	shalt  }
0x53: {  	_ =	shalt  }
0x54: {  	_ =	shalt  }
0x55: {  	_ =	shalt  }
0x56: {  	_ =	shalt  }
0x57: {  	_ =	shalt  }
0x58: {  	_ =	shalt  }
0x59: {  	_ =	shalt  }
0x5a: {  	_ =	shalt  }
0x5b: {  	_ =	shalt  }
0x5c: {  	_ =	shalt  }
0x5d: {  	_ =	shalt  }
0x5e: {  	_ =	shalt  }
0x5f: {  	_ =	shalt  }
0x60: {  	_ =	shalt  }
0x61: {  	_ =	shalt  }
0x62: {  	_ =	shalt  }
0x63: {  	_ =	shalt  }
0x64: {  	_ =	shalt  }
0x65: {  	_ =	shalt  }
0x66: {  	_ =	shalt  }
0x67: {  	_ =	shalt  }
0x68: {  	_ =	shalt  }
0x69: {  	_ =	shalt  }
0x6a: {  	_ =	shalt  }
0x6b: {  	_ =	shalt  }
0x6c: {  	_ =	shalt  }
0x6d: {  	_ =	shalt  }
0x6e: {  	_ =	shalt  }
0x6f: {  	_ =	shalt  }
0x70: {  	_ =	shalt  }
0x71: {  	_ =	shalt  }
0x72: {  	_ =	shalt  }
0x73: {  	_ =	shalt  }
0x74: {  	_ =	shalt  }
0x75: {  	_ =	shalt  }
0x76: {  	_ =	shalt  }
0x77: {  	_ =	shalt  }
0x78: {  	_ =	shalt  }
0x79: {  	_ =	shalt  }
0x7a: {  	_ =	shalt  }
0x7b: {  	_ =	shalt  }
0x7c: {  	_ =	shalt  }
0x7d: {  	_ =	shalt  }
0x7e: {  	_ =	shalt  }
0x7f: {  	_ =	shalt  }
0x80: {  	_ =	shalt  }
0x81: {  	_ =	shalt  }
0x82: {  	_ =	shalt  }
0x83: {  	_ =	shalt  }
0x84: {  	_ =	shalt  }
0x85: {  	_ =	shalt  }
0x86: {  	_ =	shalt  }
0x87: {  	_ =	shalt  }
.Lfunc_end0:
.L_simem_size_0:
called_computation.1_lowered:
.L_overlay_start_0:
0x88: {  	s2 =	sld [smem:$0x3FD9]  }
0x89: {  	s3 =	sld [smem:$0x3FFE];
	_ =	sdelay $0x1  }
0x8a: {  	s1 =	srdreg.scid  }
0x8b: {  	s0 =	sand.u32 $0x1, s1  }
0x8c: {  	s17 =	sshll.u32 s0, $0xA;
	s2 =	sadd.s32 s3, s2  }
0x8d: {  	s2 =	sadd.s32 s2, s17  }
0x8e: {  	[smem:$0x3FC6] =	sst s2  }
0x8f: {  	_ = 	snop  }
0x90: {  	s2 =	sld [smem:$0x3FD0];
	(tm) =	ssettm $0x1  }
0x91: {  	s18 =	sld [smem:$0x3FFB];
	_ =	sdelay $0x3  }
0x92: {  	_ =	strace s18  }
0x93: {  	s3 =	sld [smem:$0x3FFC];
	_ =	sdelay $0x3  }
0x94: {  	_ =	strace s3  }
0x95: {  	s3 =	sld [smem:$0x3FFD];
	_ =	sdelay $0x3  }
0x96: {  	_ =	strace s3  }
0x97: {  	_ =	strace $0x8FFFFFFF  }
0x98: {  	s19 =	sld [smem:$0x3FDB];
	_ =	sdelay $0x1  }
0x99: {  	s4 =	simm.s32 $_scs_section_size  }
0x9a: {  	s5 =	simm.s32 $_size__tile_overlayer_lowered;
	s6 =	simm.s32 $_tile_overlayer_lowered  }
0x9b: {  	s22 =	simm.s32 $0x1BFF;
	s21 =	sshll.u32 s6, $0x1;
	s3 =	sadd.s32 s4, s19  }
0x9c: {  	s7 =	simm.s32 $0x0;
	s20 =	sshll.u32 s5, $0x1;
	s5 =	sadd.s32 s21, s3  }
0x9d: {  	[timem:s7], [sflag:s22] =	dma.local [hbm:s5], s20  }
0x9e: {  	_ =	swait.ge [sflag:s22], s20  }
0x9f: {  	s4 =	ssub.s32 $0x0, s20;
	[sflag:s22] =	ssyncset.done $0x0  }
0xa0: {  	[sflag:s22] =	ssyncadd.s32 s4;
	_ =	sdelay $0x1  }
0xa1: {  	s23 =	simm.s32 $0x1B8B  }
0xa2: {  	_ =	swait.ge [sflag:s23], $0x1  }
0xa3: {  	[sflag:s23] =	ssyncset.done $0x0  }
0xa4: {  	s25 =	simm.s32 $0x1B8E;
	s24 =	sld [smem:$0x3FFE];
	[sflag:s23] =	ssyncadd.s32 $0xFFFFFFFF  }
0xa5: {  	s26 =	simm.s32 $execute0_lowered;
	[smem:$0x3FD2] =	sst s25  }
0xa6: {  	s5 =	sshll.u32 s26, $0x1;
	_ =	strace $0x80000049;
	[dreg:$0x1] =	wrdreg $0xFFFFFFFF  }
0xa7: {  	s28 =	simm.s32 $_size_execute0_lowered;
	s3 =	sadd.s32 s3, s5;
	[dreg:$0x0] =	wrdreg $0x0  }
0xa8: {  	s5 =	sshll.u32 s28, $0x1;
	[dreg:$0x2] =	wrdreg s3  }
0xa9: {  	[dreg:$0x3] =	wrdreg s5  }
0xaa: {  	[dreg:$0x4] =	wrdreg $0xC0  }
0xab: {  	_ =	task [dreg:s7], $0x5FFFF  }
0xac: {  	[dreg:$0x1] =	wrdreg $0xFFFFFFFF  }
0xad: {  	[dreg:$0x0] =	wrdreg $0x60  }
0xae: {  	[dreg:$0x2] =	wrdreg s24  }
0xaf: {  	[dreg:$0x3] =	wrdreg s2  }
0xb0: {  	[dreg:$0x4] =	wrdreg $0x9  }
0xb1: {  	_ =	task.clear_ibuf [dreg:s7], $0x5FFFF;
	_ =	strace $0x90000049  }
0xb2: {  	s29 =	simm.s32 $0x9;
	_ =	strace $0x8000004B  }
0xb3: {  	_ =	swait.ge [sflag:s29], $0x1  }
0xb4: {  	[sflag:s29] =	ssyncadd.s32 $0xFFFFFFFF  }
0xb5: {  	_ =	strace $0x9000004B  }
0xb6: {  	_ =	sfence  }
0xb7: {  	s30 =	sld [smem:$0x0];
	_ =	sdelay $0x2  }
0xb8: {  	s31 =	sshll.u32 s1, $0xD;
	s1 =	sshrl.u32 s1, $0x2  }
0xb9: {  	s3 =	sand.u32 $0x4000, s31;
	s1 =	sadd.s32 s1, s30  }
0xba: {  	s0 =	sor.u32 s3, s0;
	s1 =	sshll.u32 s1, $0x11  }
0xbb: {  	s0 =	sor.u32 s1, s0  }
0xbc: {  	s0 =	sadd.s32 $0x8F2B, s0  }
0xbd: {  	[sflag:s0] =	ssyncadd.remote.s32 $0x1  }
0xbe: {  	_ =	sfence.sel $0xFFFF  }
0xbf: {  	[dreg:$0x0] =	wrdreg $0xFFFFFFFF;
	(pc) =	sbr.abs _section_cstart, $3  }
0xc0: {  	[dreg:$0x1] =	wrdreg $0xFFFFFFFF  }
0xc1: {  	_ =	task.clear_ibuf [dreg:s7], $0x2FFFF;
	_ =	strace $0x9FFFFFFF  }
0xc2: {  	(tm) =	ssettm $0x7FFFFFFF  }
0xc3: {  	_ =	shalt  }
tec
execute0_lowered:
.L_overlay_start_1:
0x0: {  	(tag) =	ssettag $0x1  }
0x1: {  	s1 =	srdreg.scid;
	s0 =	stileid.u32  }
0x2: {  	s26 =	sand.u32 $0x1, s1;
	s31 =	sshll.u32 s0, $0x1  }
0x3: {  	s12 =	sor.u32 s26, s31  }
0x4: {  	s5 =	rddreg [dreg:$0x0];
	s3 =	smul.u32 $0x680, s12  }
0x5: {  	s14 =	rddreg [dreg:$0x1];
	s2 =	simm.s32 $0x0  }
0x6: {  	s4 =	simm.s32 $0x5;
	[smem:$0x7FF] =	sst s2;
	s3 =	sadd.s32 s3, s5  }
0x7: {  	s1 =	rddreg [dreg:$0x2];
	_ =	strace $0x8000004A;
	s3 =	sadd.s32 $0x27ACE00, s3  }
0x8: {  	[tilespmem:s2], [sflag:$0x5] =	stream.linear.gather [hbm4b:s3+s2], $0x3400, $0x38;
	[tilespmem:$0x10400] =	vst v63  }
0x9: {  	_ =	swait.ge [sflag:s4], $0x3400  }
0xa: {  	s6 =	simm.s32 $0x680;
	[sflag:s4] =	ssyncset.done $0x0  }
0xb: {  	s7 =	simm.s32 $0x3400;
	s5 =	sadd.s32 $0x27B9E00, s5;
	[sflag:s4] =	ssyncadd.s32 $0xFFFFCC00  }
0xc: {  	[tilespmem:s7], [sflag:$0x1] =	stream.indirect.gather [hbm4b:s5+s6], $0x10, s2, s6, $0xb8;
	[tilespmem:$0x10400] =	vst v63  }
0xd: {  	s8 =	simm.s32 $0x9C00;
	s9 =	simm.s32 $0x1  }
0xe: {  	[tilespmem:s8], [sflag:$0x2] =	stream.indirect.gather [hbm4b:s5+s6], $0x10, s6, s6, $0xb8;
	[tilespmem:$0x10400] =	vst v63  }
0xf: {  	s10 =	smul.u32 $0x6800, s12;
	_ =	swait.ge [sflag:s9], $0x6800  }
0x10: {  	[sflag:s9] =	ssyncset.done $0x0  }
0x11: {  	s11 =	simm.s32 $0x3;
	s10 =	sadd.s32 s14, s10;
	[sflag:s9] =	ssyncadd.s32 $0xFFFF9800  }
0x12: {  	[hbm4b:s10+s2] =	stream.linear.scatter [tilespmem:s7], [sflag:$0x3], $0x6800, $0x38;
	[tilespmem:$0x10400] =	vst v63  }
0x13: {  	_ =	swait.ge [sflag:s11], $0x6800  }
0x14: {  	s13 =	simm.s32 $0x2;
	[sflag:s11] =	ssyncset.done $0x0  }
0x15: {  	s15 =	smul.u32 $0x34000, s12;
	s12 =	simm.s32 $0xD00;
	[sflag:s11] =	ssyncadd.s32 $0xFFFF9800  }
0x16: {  	[tilespmem:s7], [sflag:$0x1] =	stream.indirect.gather [hbm4b:s5+s6], $0x10, s12, s6, $0xb8;
	[tilespmem:$0x10400] =	vst v63  }
0x17: {  	s15 =	sshrl.u32 s15, $0x3;
	_ =	swait.ge [sflag:s13], $0x6800  }
0x18: {  	s28 =	sadd.s32 s14, s15;
	[sflag:s13] =	ssyncset.done $0x0  }
0x19: {  	s14 =	simm.s32 $0x4;
	s15 =	sadd.s32 $0xD00, s28;
	[sflag:s13] =	ssyncadd.s32 $0xFFFF9800  }
0x1a: {  	[hbm4b:s15+s2] =	stream.linear.scatter [tilespmem:s8], [sflag:$0x4], $0x6800, $0x38;
	[tilespmem:$0x10400] =	vst v63  }
0x1b: {  	_ =	swait.ge [sflag:s14], $0x6800  }
0x1c: {  	[sflag:s14] =	ssyncset.done $0x0  }
0x1d: {  	s16 =	simm.s32 $0x1380;
	[sflag:s14] =	ssyncadd.s32 $0xFFFF9800  }
0x1e: {  	[tilespmem:s8], [sflag:$0x2] =	stream.indirect.gather [hbm4b:s5+s6], $0x10, s16, s6, $0xb8;
	[tilespmem:$0x10400] =	vst v63  }
0x1f: {  	_ =	swait.ge [sflag:s9], $0x6800  }
0x20: {  	[sflag:s9] =	ssyncset.done $0x0  }
0x21: {  	s17 =	sadd.s32 $0x1A00, s28;
	[sflag:s9] =	ssyncadd.s32 $0xFFFF9800  }
0x22: {  	[hbm4b:s17+s2] =	stream.linear.scatter [tilespmem:s7], [sflag:$0x3], $0x6800, $0x38;
	[tilespmem:$0x10400] =	vst v63  }
0x23: {  	_ =	swait.ge [sflag:s11], $0x6800  }
0x24: {  	[sflag:s11] =	ssyncset.done $0x0  }
0x25: {  	s18 =	simm.s32 $0x1A00;
	[sflag:s11] =	ssyncadd.s32 $0xFFFF9800  }
0x26: {  	[tilespmem:s7], [sflag:$0x1] =	stream.indirect.gather [hbm4b:s5+s6], $0x10, s18, s6, $0xb8;
	[tilespmem:$0x10400] =	vst v63  }
0x27: {  	_ =	swait.ge [sflag:s13], $0x6800  }
0x28: {  	[sflag:s13] =	ssyncset.done $0x0  }
0x29: {  	s19 =	sadd.s32 $0x2700, s28;
	[sflag:s13] =	ssyncadd.s32 $0xFFFF9800  }
0x2a: {  	[hbm4b:s19+s2] =	stream.linear.scatter [tilespmem:s8], [sflag:$0x4], $0x6800, $0x38;
	[tilespmem:$0x10400] =	vst v63  }
0x2b: {  	_ =	swait.ge [sflag:s14], $0x6800  }
0x2c: {  	[sflag:s14] =	ssyncset.done $0x0  }
0x2d: {  	s20 =	simm.s32 $0x2080;
	[sflag:s14] =	ssyncadd.s32 $0xFFFF9800  }
0x2e: {  	[tilespmem:s8], [sflag:$0x2] =	stream.indirect.gather [hbm4b:s5+s6], $0x10, s20, s6, $0xb8;
	[tilespmem:$0x10400] =	vst v63  }
0x2f: {  	_ =	swait.ge [sflag:s9], $0x6800  }
0x30: {  	[sflag:s9] =	ssyncset.done $0x0  }
0x31: {  	s21 =	sadd.s32 $0x3400, s28;
	[sflag:s9] =	ssyncadd.s32 $0xFFFF9800  }
0x32: {  	[hbm4b:s21+s2] =	stream.linear.scatter [tilespmem:s7], [sflag:$0x3], $0x6800, $0x38;
	[tilespmem:$0x10400] =	vst v63  }
0x33: {  	_ =	swait.ge [sflag:s11], $0x6800  }
0x34: {  	[sflag:s11] =	ssyncset.done $0x0  }
0x35: {  	s22 =	simm.s32 $0x2700;
	[sflag:s11] =	ssyncadd.s32 $0xFFFF9800  }
0x36: {  	[tilespmem:s7], [sflag:$0x1] =	stream.indirect.gather [hbm4b:s5+s6], $0x10, s22, s6, $0xb8;
	[tilespmem:$0x10400] =	vst v63  }
0x37: {  	_ =	swait.ge [sflag:s13], $0x6800  }
0x38: {  	[sflag:s13] =	ssyncset.done $0x0  }
0x39: {  	s23 =	sadd.s32 $0x4100, s28;
	[sflag:s13] =	ssyncadd.s32 $0xFFFF9800  }
0x3a: {  	[hbm4b:s23+s2] =	stream.linear.scatter [tilespmem:s8], [sflag:$0x4], $0x6800, $0x38;
	[tilespmem:$0x10400] =	vst v63  }
0x3b: {  	_ =	swait.ge [sflag:s14], $0x6800  }
0x3c: {  	[sflag:s14] =	ssyncset.done $0x0  }
0x3d: {  	s24 =	simm.s32 $0x2D80;
	[sflag:s14] =	ssyncadd.s32 $0xFFFF9800  }
0x3e: {  	[tilespmem:s8], [sflag:$0x2] =	stream.indirect.gather [hbm4b:s5+s6], $0x10, s24, s6, $0xb8;
	[tilespmem:$0x10400] =	vst v63  }
0x3f: {  	_ =	swait.ge [sflag:s9], $0x6800  }
0x40: {  	s29 =	ssub.s32 $0x2, s26;
	s25 =	sadd.s32 $0x4E00, s28;
	[sflag:s9] =	ssyncset.done $0x0  }
0x41: {  	s26 =	sadd.s32 $0x5B00, s28;
	s28 =	sshrl.u32 s29, $0x1;
	[sflag:s9] =	ssyncadd.s32 $0xFFFF9800  }
0x42: {  	[hbm4b:s25+s2] =	stream.linear.scatter [tilespmem:s7], [sflag:$0x3], $0x6800, $0x38;
	[tilespmem:$0x10400] =	vst v63  }
0x43: {  	s28 =	ssub.s32 s29, s28;
	_ =	swait.ge [sflag:s13], $0x6800  }
0x44: {  	s28 =	smax.u32 s28, $0x1;
	[sflag:s13] =	ssyncset.done $0x0  }
0x45: {  	p0 =	sne.s32 s28, $0x1;
	[sflag:s13] =	ssyncadd.s32 $0xFFFF9800  }
0x46: {  	[hbm4b:s26+s2] =	stream.linear.scatter [tilespmem:s8], [sflag:$0x4], $0x6800, $0x38;
	[tilespmem:$0x10400] =	vst v63  }
.Ltmp0:
0x47: {  	_ =	swait.ge [sflag:s11], $0x6800;
	(pc) =	sbr.rel @!p0 .LBB2_2-.Ltmp0, $4  }
0x48: {  	[sflag:s11] =	ssyncset.done $0x0  }
0x49: {  	[sflag:s11] =	ssyncadd.s32 $0xFFFF9800  }
0x4a: {  	_ =	swait.ge [sflag:s14], $0x6800  }
0x4b: {  	s28 =	sadd.s32 $0xFFFFFFFF, s28;
	[sflag:s14] =	ssyncset.done $0x0  }
.LBB2_1:
0x4c: {  	p0 =	sne.s32 s28, $0x1;
	s28 =	sadd.s32 $0xFFFFFFFF, s28;
	[sflag:s14] =	ssyncadd.s32 $0xFFFF9800  }
0x4d: {  	[tilespmem:s2], [sflag:$0x5] =	stream.linear.gather [hbm4b:s3+s2], $0x3400, $0x38;
	[tilespmem:$0x10400] =	vst v63  }
0x4e: {  	_ =	swait.ge [sflag:s4], $0x3400  }
0x4f: {  	[sflag:s4] =	ssyncset.done $0x0  }
0x50: {  	[sflag:s4] =	ssyncadd.s32 $0xFFFFCC00  }
0x51: {  	[tilespmem:s7], [sflag:$0x1] =	stream.indirect.gather [hbm4b:s5+s6], $0x10, s2, s6, $0xb8;
	[tilespmem:$0x10400] =	vst v63  }
0x52: {  	_ = 	snop  }
0x53: {  	[tilespmem:s8], [sflag:$0x2] =	stream.indirect.gather [hbm4b:s5+s6], $0x10, s6, s6, $0xb8;
	[tilespmem:$0x10400] =	vst v63  }
0x54: {  	_ =	swait.ge [sflag:s9], $0x6800  }
0x55: {  	[sflag:s9] =	ssyncset.done $0x0  }
0x56: {  	[sflag:s9] =	ssyncadd.s32 $0xFFFF9800  }
0x57: {  	[hbm4b:s10+s2] =	stream.linear.scatter [tilespmem:s7], [sflag:$0x3], $0x6800, $0x38;
	[tilespmem:$0x10400] =	vst v63  }
0x58: {  	_ =	swait.ge [sflag:s11], $0x6800  }
0x59: {  	[sflag:s11] =	ssyncset.done $0x0  }
0x5a: {  	[sflag:s11] =	ssyncadd.s32 $0xFFFF9800  }
0x5b: {  	[tilespmem:s7], [sflag:$0x1] =	stream.indirect.gather [hbm4b:s5+s6], $0x10, s12, s6, $0xb8;
	[tilespmem:$0x10400] =	vst v63  }
0x5c: {  	_ =	swait.ge [sflag:s13], $0x6800  }
0x5d: {  	[sflag:s13] =	ssyncset.done $0x0  }
0x5e: {  	[sflag:s13] =	ssyncadd.s32 $0xFFFF9800  }
0x5f: {  	[hbm4b:s15+s2] =	stream.linear.scatter [tilespmem:s8], [sflag:$0x4], $0x6800, $0x38;
	[tilespmem:$0x10400] =	vst v63  }
0x60: {  	_ =	swait.ge [sflag:s14], $0x6800  }
0x61: {  	[sflag:s14] =	ssyncset.done $0x0  }
0x62: {  	[sflag:s14] =	ssyncadd.s32 $0xFFFF9800  }
0x63: {  	[tilespmem:s8], [sflag:$0x2] =	stream.indirect.gather [hbm4b:s5+s6], $0x10, s16, s6, $0xb8;
	[tilespmem:$0x10400] =	vst v63  }
0x64: {  	_ =	swait.ge [sflag:s9], $0x6800  }
0x65: {  	[sflag:s9] =	ssyncset.done $0x0  }
0x66: {  	[sflag:s9] =	ssyncadd.s32 $0xFFFF9800  }
0x67: {  	[hbm4b:s17+s2] =	stream.linear.scatter [tilespmem:s7], [sflag:$0x3], $0x6800, $0x38;
	[tilespmem:$0x10400] =	vst v63  }
0x68: {  	_ =	swait.ge [sflag:s11], $0x6800  }
0x69: {  	[sflag:s11] =	ssyncset.done $0x0  }
0x6a: {  	[sflag:s11] =	ssyncadd.s32 $0xFFFF9800  }
0x6b: {  	[tilespmem:s7], [sflag:$0x1] =	stream.indirect.gather [hbm4b:s5+s6], $0x10, s18, s6, $0xb8;
	[tilespmem:$0x10400] =	vst v63  }
0x6c: {  	_ =	swait.ge [sflag:s13], $0x6800  }
0x6d: {  	[sflag:s13] =	ssyncset.done $0x0  }
0x6e: {  	[sflag:s13] =	ssyncadd.s32 $0xFFFF9800  }
0x6f: {  	[hbm4b:s19+s2] =	stream.linear.scatter [tilespmem:s8], [sflag:$0x4], $0x6800, $0x38;
	[tilespmem:$0x10400] =	vst v63  }
0x70: {  	_ =	swait.ge [sflag:s14], $0x6800  }
0x71: {  	[sflag:s14] =	ssyncset.done $0x0  }
0x72: {  	[sflag:s14] =	ssyncadd.s32 $0xFFFF9800  }
0x73: {  	[tilespmem:s8], [sflag:$0x2] =	stream.indirect.gather [hbm4b:s5+s6], $0x10, s20, s6, $0xb8;
	[tilespmem:$0x10400] =	vst v63  }
0x74: {  	_ =	swait.ge [sflag:s9], $0x6800  }
0x75: {  	[sflag:s9] =	ssyncset.done $0x0  }
0x76: {  	[sflag:s9] =	ssyncadd.s32 $0xFFFF9800  }
0x77: {  	[hbm4b:s21+s2] =	stream.linear.scatter [tilespmem:s7], [sflag:$0x3], $0x6800, $0x38;
	[tilespmem:$0x10400] =	vst v63  }
0x78: {  	_ =	swait.ge [sflag:s11], $0x6800  }
0x79: {  	[sflag:s11] =	ssyncset.done $0x0  }
0x7a: {  	[sflag:s11] =	ssyncadd.s32 $0xFFFF9800  }
0x7b: {  	[tilespmem:s7], [sflag:$0x1] =	stream.indirect.gather [hbm4b:s5+s6], $0x10, s22, s6, $0xb8;
	[tilespmem:$0x10400] =	vst v63  }
0x7c: {  	_ =	swait.ge [sflag:s13], $0x6800  }
0x7d: {  	[sflag:s13] =	ssyncset.done $0x0  }
0x7e: {  	[sflag:s13] =	ssyncadd.s32 $0xFFFF9800  }
0x7f: {  	[hbm4b:s23+s2] =	stream.linear.scatter [tilespmem:s8], [sflag:$0x4], $0x6800, $0x38;
	[tilespmem:$0x10400] =	vst v63  }
0x80: {  	_ =	swait.ge [sflag:s14], $0x6800  }
0x81: {  	[sflag:s14] =	ssyncset.done $0x0  }
0x82: {  	[sflag:s14] =	ssyncadd.s32 $0xFFFF9800  }
0x83: {  	[tilespmem:s8], [sflag:$0x2] =	stream.indirect.gather [hbm4b:s5+s6], $0x10, s24, s6, $0xb8;
	[tilespmem:$0x10400] =	vst v63  }
0x84: {  	_ =	swait.ge [sflag:s9], $0x6800  }
0x85: {  	[sflag:s9] =	ssyncset.done $0x0  }
0x86: {  	[sflag:s9] =	ssyncadd.s32 $0xFFFF9800  }
0x87: {  	[hbm4b:s25+s2] =	stream.linear.scatter [tilespmem:s7], [sflag:$0x3], $0x6800, $0x38;
	[tilespmem:$0x10400] =	vst v63  }
0x88: {  	_ =	swait.ge [sflag:s13], $0x6800  }
0x89: {  	[sflag:s13] =	ssyncset.done $0x0  }
0x8a: {  	[sflag:s13] =	ssyncadd.s32 $0xFFFF9800  }
0x8b: {  	[hbm4b:s26+s2] =	stream.linear.scatter [tilespmem:s8], [sflag:$0x4], $0x6800, $0x38;
	[tilespmem:$0x10400] =	vst v63  }
.Ltmp1:
0x8c: {  	_ =	swait.ge [sflag:s11], $0x6800;
	(pc) =	sbr.rel @p0 .LBB2_1-.Ltmp1, $4  }
0x8d: {  	[sflag:s11] =	ssyncset.done $0x0  }
0x8e: {  	[sflag:s11] =	ssyncadd.s32 $0xFFFF9800  }
0x8f: {  	_ =	swait.ge [sflag:s14], $0x6800  }
0x90: {  	[sflag:s14] =	ssyncset.done $0x0  }
.LBB2_2:
0x91: {  	[sflag:s14] =	ssyncadd.s32 $0xFFFF9800  }
0x92: {  	_ =	sfence.sel $0x180000  }
0x93: {  	[bflag:$0x0] =	sbarrier.arrive $0xFFFF  }
0x94: {  	p0 =	sne.s32 s0, $0x0;
	_ =	strace $0x9000004A  }
0x95: {  	s0 =	sadd.s32 @!p0 $0x100000, s1;
	[bflag:$0x2] =	sbarrier.arrive $0xFFFF  }
0x96: {  	[sflag:s0] =	ssyncadd.tile.s32 @!p0 $0x1;
	_ =	shalt  }
.Lfunc_end2:
_tile_overlayer_lowered:
.L_overlay_start_2:
0x97: {  	(tag) =	ssettag $0x2  }
0x98: {  	s0 =	rddreg [dreg:$0x0];
	s2 =	stileid.u32  }
0x99: {  	s1 =	rddreg [dreg:$0x1];
	p0 =	sne.s32 s2, $0x0  }
0x9a: {  	s3 =	rddreg [dreg:$0x2];
	[bflag:$0x3] =	sbarrier.arrive $0xFFFF;
	s2 =	simm.s32 @!p0 $0x1C05  }
0x9b: {  	[timem:s3], [sflag:s2] =	dma.local @!p0 [hbm:s0], s1  }
0x9c: {  	s0 =	simm.s32 @!p0 $0x5  }
0x9d: {  	_ =	swait.ge @!p0 [sflag:s0], s1  }
0x9e: {  	s1 =	ssub.s32 @!p0 $0x0, s1;
	[sflag:s0] =	ssyncset.done @!p0 $0x0  }
0x9f: {  	[sflag:s0] =	ssyncadd.s32 @!p0 s1  }
0xa0: {  	[bflag:$0x3] =	sbarrier.arrive $0xFFFF  }
0xa1: {  	_ =	shalt  }

// kernel: sparse-core-data-format-call.cloned.1.call-start
scs
called_computation_lowered:
.L_overlay_start_0:
0x0: {  	s2 =	sld [smem:$0x3FD9]  }
0x1: {  	s3 =	sld [smem:$0x3FFE];
	_ =	sdelay $0x1  }
0x2: {  	s1 =	srdreg.scid  }
0x3: {  	s0 =	sand.u32 $0x1, s1  }
0x4: {  	s18 =	sshll.u32 s0, $0xA;
	s2 =	sadd.s32 s3, s2  }
0x5: {  	s2 =	sadd.s32 s2, s18  }
0x6: {  	[smem:$0x3FC6] =	sst s2  }
0x7: {  	_ = 	snop  }
0x8: {  	s2 =	sld [smem:$0x3FC8];
	(tm) =	ssettm $0x1  }
0x9: {  	s19 =	sld [smem:$0x3FFB];
	_ =	sdelay $0x3  }
0xa: {  	_ =	strace s19  }
0xb: {  	s3 =	sld [smem:$0x3FFC];
	_ =	sdelay $0x3  }
0xc: {  	_ =	strace s3  }
0xd: {  	s3 =	sld [smem:$0x3FFD];
	_ =	sdelay $0x3  }
0xe: {  	_ =	strace s3  }
0xf: {  	_ =	strace $0x8FFFFFFF  }
0x10: {  	s20 =	sld [smem:$0x3FDB];
	_ =	sdelay $0x1  }
0x11: {  	s4 =	simm.s32 $_scs_section_size  }
0x12: {  	s5 =	simm.s32 $_size__tile_overlayer_lowered;
	s6 =	simm.s32 $_tile_overlayer_lowered  }
0x13: {  	s23 =	simm.s32 $0x1BFF;
	s22 =	sshll.u32 s6, $0x1;
	s3 =	sadd.s32 s4, s20  }
0x14: {  	s7 =	simm.s32 $0x0;
	s21 =	sshll.u32 s5, $0x1;
	s5 =	sadd.s32 s22, s3  }
0x15: {  	[timem:s7], [sflag:s23] =	dma.local [hbm:s5], s21  }
0x16: {  	_ =	swait.ge [sflag:s23], s21  }
0x17: {  	s4 =	ssub.s32 $0x0, s21;
	[sflag:s23] =	ssyncset.done $0x0  }
0x18: {  	[sflag:s23] =	ssyncadd.s32 s4;
	_ =	sdelay $0x1  }
0x19: {  	s24 =	simm.s32 $0x1B8B  }
0x1a: {  	_ =	swait.ge [sflag:s24], $0x1  }
0x1b: {  	[sflag:s24] =	ssyncset.done $0x0  }
0x1c: {  	s26 =	simm.s32 $0x1B8E;
	s25 =	sld [smem:$0x3FFE];
	[sflag:s24] =	ssyncadd.s32 $0xFFFFFFFF  }
0x1d: {  	s27 =	simm.s32 $execute0_lowered;
	[smem:$0x3FD2] =	sst s26  }
0x1e: {  	s5 =	sshll.u32 s27, $0x1;
	_ =	strace $0x80000046;
	[dreg:$0x1] =	wrdreg $0xFFFFFFFF  }
0x1f: {  	s28 =	simm.s32 $_size_execute0_lowered;
	s3 =	sadd.s32 s3, s5;
	[dreg:$0x0] =	wrdreg $0x0  }
0x20: {  	s5 =	sshll.u32 s28, $0x1;
	[dreg:$0x2] =	wrdreg s3  }
0x21: {  	[dreg:$0x3] =	wrdreg s5  }
0x22: {  	[dreg:$0x4] =	wrdreg $0xC0  }
0x23: {  	_ =	task [dreg:s7], $0x5FFFF  }
0x24: {  	[dreg:$0x1] =	wrdreg $0xFFFFFFFF  }
0x25: {  	[dreg:$0x0] =	wrdreg $0x60  }
0x26: {  	[dreg:$0x2] =	wrdreg s2  }
0x27: {  	[dreg:$0x3] =	wrdreg s25  }
0x28: {  	[dreg:$0x4] =	wrdreg $0x9  }
0x29: {  	_ =	task.clear_ibuf [dreg:s7], $0x5FFFF;
	_ =	strace $0x90000046  }
0x2a: {  	s29 =	simm.s32 $0x9;
	_ =	strace $0x80000048  }
0x2b: {  	_ =	swait.ge [sflag:s29], $0x1  }
0x2c: {  	[sflag:s29] =	ssyncadd.s32 $0xFFFFFFFF  }
0x2d: {  	_ =	strace $0x90000048  }
0x2e: {  	_ =	sfence  }
0x2f: {  	s30 =	sld [smem:$0x0];
	_ =	sdelay $0x2  }
0x30: {  	s31 =	sshll.u32 s1, $0xD;
	s1 =	sshrl.u32 s1, $0x2  }
0x31: {  	s3 =	sand.u32 $0x4000, s31;
	s1 =	sadd.s32 s1, s30  }
0x32: {  	s0 =	sor.u32 s3, s0;
	s1 =	sshll.u32 s1, $0x11  }
0x33: {  	s0 =	sor.u32 s1, s0  }
0x34: {  	s0 =	sadd.s32 $0x8F2B, s0  }
0x35: {  	[sflag:s0] =	ssyncadd.remote.s32 $0x1  }
0x36: {  	_ =	sfence.sel $0xFFFF  }
0x37: {  	[dreg:$0x0] =	wrdreg $0xFFFFFFFF;
	(pc) =	sbr.abs _section_cstart, $3  }
0x38: {  	[dreg:$0x1] =	wrdreg $0xFFFFFFFF  }
0x39: {  	_ =	task.clear_ibuf [dreg:s7], $0x2FFFF;
	_ =	strace $0x9FFFFFFF  }
0x3a: {  	(tm) =	ssettm $0x7FFFFFFF  }
0x3b: {  	_ =	shalt  }
tec
execute0_lowered:
.L_overlay_start_1:
0x0: {  	(tag) =	ssettag $0x1  }
0x1: {  	s2 =	rddreg [dreg:$0x0]  }
0x2: {  	s0 =	srdreg.scid;
	s5 =	rddreg [dreg:$0x1]  }
0x3: {  	s31 =	simm.s32 $0x2;
	s16 =	simm.s32 $0x0;
	p0 =	por $0x0, $0x0  }
0x4: {  	s8 =	simm.s32 $0x80;
	s17 =	simm.s32 $0x0;
	s1 =	sshll.u32 s0, $0x4  }
0x5: {  	s18 =	simm.s32 $0x0;
	s0 =	stileid.u32;
	s1 =	sand.u32 $0x10, s1  }
0x6: {  	s9 =	simm.s32 $0x0;
	s10 =	simm.s32 $0x0;
	s1 =	sor.u32 s0, s1  }
0x7: {  	s11 =	simm.s32 $0x0;
	s13 =	simm.s32 $0x0;
	s3 =	sshll.u32 s1, $0x8  }
.Ltmp0:
0x8: {  	s14 =	simm.s32 $0x0;
	s4 =	ssub.s32 $0x18600, s3;
	(pc) =	sbr.rel .LBB1_1-.Ltmp0, $4  }
0x9: {  	s15 =	simm.s32 $0x0;
	s1 =	rddreg [dreg:$0x2];
	s6 =	sshrl.u32 s4, $0xD  }
0xa: {  	_ =	strace $0x80000047;
	s4 =	simm.s32 $0x1;
	s7 =	smul.u32 $0x1A, s6  }
0xb: {  	s5 =	sadd.s32 $0xA00, s5;
	s12 =	smov.u32 s3;
	[sflag:s4] =	ssyncpa.u1 $0x0  }
0xc: {  	[sflag:s31] =	ssyncpa.u1 $0x0;
	s6 =	sadd.s32 $0x1A, s7;
	s7 =	sadd.s32 $0x1B, s7  }
.LBB1_5:
0xd: {  	p1 =	slt.u32 s15, $0x2  }
0xe: {  	s19 =	smov.u32 s18;
	p2 =	sgt.s32 @!p1 s18, $0x19  }
0xf: {  	s20 =	sshra.s32 @!p1 s18, $0x1F;
	p3 =	sgt.s32 @!p1 s16, $0x185A0;
	p4 =	sgt.s32 @!p1 s17, $0x70  }
0x10: {  	s21 =	sshra.s32 @!p1 s17, $0x1F;
	p2 =	por !p2, p1;
	s18 =	sand.u32 @!p1 s20, s18  }
0x11: {  	p4 =	por !p4, p1;
	s20 =	smov.u32 s17;
	s19 =	simm.s32 @p2 $0x19  }
0x12: {  	s17 =	sand.u32 @!p1 s21, s17;
	s20 =	simm.s32 @p4 $0x70;
	s18 =	ssub.s32 @!p1 s19, s18  }
0x13: {  	p3 =	por !p3, p1;
	s17 =	ssub.s32 @!p1 s20, s17;
	s19 =	sadd.s32 @!p1 $0xFFFFFFE7, s18  }
0x14: {  	s20 =	sshra.s32 @!p1 s16, $0x1F;
	s18 =	ssub.s32 @!p1 $0x1A, s18;
	p2 =	sgt.s32 @!p1 s19, $0x0  }
0x15: {  	s19 =	smov.u32 s16;
	s16 =	sand.u32 @!p1 s20, s16;
	s20 =	sadd.s32 @!p1 $0xFFFFFF90, s17  }
0x16: {  	s17 =	ssub.s32 @!p1 $0x80, s17;
	s19 =	simm.s32 @p3 $0x185A0;
	p2 =	por !p2, p1  }
0x17: {  	s18 =	simm.s32 @!p2 $0x0;
	s16 =	ssub.s32 @!p1 s19, s16;
	p2 =	sgt.s32 @!p1 s20, $0xF  }
0x18: {  	s20 =	smov.u32 s13;
	s19 =	sadd.s32 @!p1 $0xFFFE7A60, s16;
	p2 =	por !p2, p1  }
0x19: {  	s16 =	ssub.s32 @!p1 $0x186A0, s16;
	s17 =	simm.s32 @!p2 $0x0;
	p2 =	sgt.s32 @!p1 s19, $0xFF  }
0x1a: {  	s19 =	sadd.s32 $0x2000, s12;
	p2 =	por !p2, p1;
	s17 =	smul.u32 @!p1 s18, s17  }
0x1b: {  	s18 =	sadd.s32 $0x10, s13;
	s16 =	simm.s32 @!p2 $0x0;
	p2 =	sgt.s32 s19, $0x1869F  }
0x1c: {  	s16 =	smul.u32 @!p1 s16, s17;
	s20 =	smov.u32 @p2 s18  }
0x1d: {  	s19 =	smov.u32 @p2 s3;
	s17 =	simm.s32 $0x1;
	p2 =	sgt.s32 s20, $0xF  }
0x1e: {  	s17 =	simm.s32 @!p2 $0x0  }
0x1f: {  	p0 =	por !p0, !p0;
	s23 =	sadd.s32 s17, s14  }
0x20: {  	s21 =	simm.s32 @!p1 $0x2;
	s20 =	simm.s32 @p2 $0x0;
	p2 =	sgt.s32 s23, $0x19  }
0x21: {  	s18 =	smov.u32 s11;
	s23 =	simm.s32 @p2 $0x0;
	p2 =	sne.s32 s15, s7  }
.Ltmp1:
0x22: {  	s11 =	smov.u32 s14;
	s16 =	sand.u32 @!p1 $0x3FFFFFFF, s16;
	(pc) =	sbr.rel @!p2 .LBB1_6-.Ltmp1, $4  }
0x23: {  	_ =	swait.ge @!p1 [sflag:s21], s16;
	s22 =	ssub.s32 @!p1 $0x0, s16;
	s16 =	smov.u32 s9  }
0x24: {  	s17 =	smov.u32 s10;
	s9 =	smov.u32 s12;
	s10 =	smov.u32 s13  }
0x25: {  	s12 =	smov.u32 s19;
	s13 =	smov.u32 s20;
	[sflag:s21] =	ssyncset.done @!p1 $0x0  }
0x26: {  	s15 =	sadd.s32 $0x1, s15;
	[sflag:s21] =	ssyncadd.s32 @!p1 s22;
	s14 =	smov.u32 s23  }
.LBB1_1:
0x27: {  	p1 =	sge.u32 s15, s6  }
0x28: {  	s19 =	sshrl.u32 @!p1 s13, $0x3  }
0x29: {  	s20 =	sshll.u32 @!p1 s12, $0x3;
	s19 =	smul.u32 @!p1 $0xC3800, s19  }
0x2a: {  	s21 =	sshll.u32 @!p1 s13, $0x7;
	s20 =	sand.u32 @!p1 $0xFFFFFC00, s20  }
0x2b: {  	s19 =	sadd.s32 @!p1 s19, s20;
	s20 =	sand.u32 @!p1 $0x380, s21  }
0x2c: {  	s21 =	sand.u32 @!p1 $0x7F, s12;
	s19 =	sor.u32 @!p1 s20, s19  }
0x2d: {  	s20 =	sor.u32 @!p1 s21, s19  }
0x2e: {  	s21 =	smulhi.u32 @!p1 $0xA79C7B17, s20  }
0x2f: {  	s19 =	smulhi.u32 @!p1 $0xA79C7B17, s19  }
0x30: {  	s21 =	sshrl.u32 @!p1 s21, $0x10  }
0x31: {  	s19 =	sshrl.u32 @!p1 s19, $0x10;
	s21 =	smul.u32 @!p1 $0x18700, s21  }
0x32: {  	s22 =	sxor.u32 @!p1 $0xFFFFFFFF, s15;
	s23 =	smul.u32 @!p1 $0x30E00, s14;
	s19 =	sand.u32 @!p1 $0xF, s19  }
0x33: {  	s22 =	sshll.u32 @!p1 s22, $0xC;
	s19 =	smul.u32 @!p1 $0x30E0, s19;
	s20 =	ssub.s32 @!p1 s20, s21  }
0x34: {  	s21 =	sand.u32 @!p1 $0x1000, s22;
	s22 =	sadd.s32 @!p1 s2, s23;
	s23 =	sand.u32 @!p1 $0x7, s20  }
0x35: {  	s20 =	sshrl.u32 @!p1 s20, $0x3;
	s19 =	sadd.s32 @!p1 s19, s22;
	s22 =	sshll.u32 @!p1 s23, $0x12  }
0x36: {  	s19 =	sadd.s32 @!p1 s20, s19;
	s20 =	sor.u32 @!p1 $0x800, s22;
	s22 =	simm.s32 @!p1 $0xC3800  }
0x37: {  	[tilespmem:s21], [sflag:$0x1] =	stream.strided.gather @!p1 [hbm4b:s19+s20], $0x1000, s22, s20, $0x38;
	[tilespmem:$0x4200] =	vst v63  }
0x38: {  	p1 =	seq.s32 s15, $0x0  }
0x39: {  	p2 =	sge.u32 @!p1 s15, s7  }
0x3a: {  	p1 =	por p1, p2  }
.Ltmp2:
0x3b: {  	_ = 	snop;
	(pc) =	sbr.rel @p1 .LBB1_5-.Ltmp2, $1  }
0x3c: {  	_ =	sdelay $0x3  }
0x3d: {  	s21 =	simm.s32 $0x0  }
0x3e: {  	s22 =	sand.u32 $0x800, s21;
	s23 =	sand.u32 $0x380, s21  }
0x3f: {  	s19 =	sand.u32 $0x1, s15;
	s23 =	sor.u32 s23, s22  }
0x40: {  	_ =	swait.ge [sflag:s4], $0x1000;
	s20 =	sshll.u32 s19, $0xC;
	s22 =	sand.u32 $0xB00, s23  }
0x41: {  	[sflag:s4] =	ssyncset.done $0x0;
	s21 =	sand.u32 $0x80, s21;
	s22 =	sadd.s32 s22, s20  }
0x42: {  	[sflag:s4] =	ssyncadd.s32 $0xFFFFF000;
	s25 =	sadd.s32 s21, s22  }
0x43: {  	v4 =	vld [tilespmem:s25+$0x400]  }
0x44: {  	s24 =	simm.s32 $0x1;
	v5 =	vld [tilespmem:s25+$0x0]  }
0x45: {  	s24 =	simm.s32 @!p0 $0x0;
	v6 =	vld [tilespmem:s25+$0x10]  }
0x46: {  	v0 =	vmov s20;
	s31 =	smul.u32 $0x4400, s24;
	v7 =	vld [tilespmem:s25+$0x20]  }
0x47: {  	v9 =	vld [tilespmem:s25+$0x30]  }
0x48: {  	s21 =	sshrl.u32 s31, $0x2;
	v10 =	vld [tilespmem:s25+$0x40]  }
0x49: {  	s21 =	sor.u32 $0x2000, s21;
	v11 =	vld [tilespmem:s25+$0x50]  }
0x4a: {  	v8 =	vld [tilespmem:s25+$0x60];
	s22 =	sadd.s32 $0x0, s21  }
0x4b: {  	v1 =	vld.idx.msk [tilespmem:v0+s23+$0x410 ss:$0x1], $0xffff;
	[tilespmem:s22+$0x880 ss:$0x11] =	vst.msk $0xffff, v4  }
0x4c: {  	v2 =	vld.idx.msk [tilespmem:v0+s23+$0x420 ss:$0x1], $0xffff;
	[tilespmem:s22+$0x0 ss:$0x11] =	vst.msk $0xffff, v5  }
0x4d: {  	v3 =	vld.idx.msk [tilespmem:v0+s23+$0x430 ss:$0x1], $0xffff;
	[tilespmem:s22+$0x110 ss:$0x11] =	vst.msk $0xffff, v6  }
0x4e: {  	s19 =	smul.u32 $0x4400, s19;
	[tilespmem:s22+$0x220 ss:$0x11] =	vst.msk $0xffff, v7;
	v7 =	vld [tilespmem:s25+$0x70]  }
0x4f: {  	s26 =	simm.s32 $0x80;
	s27 =	simm.s32 $0x8;
	[tilespmem:s22+$0x330 ss:$0x11] =	vst.msk $0xffff, v9;
	v4 =	vld.idx.msk [tilespmem:v0+s23+$0x440 ss:$0x1], $0xffff  }
0x50: {  	s29 =	sand.u32 $0x380, s26;
	s19 =	sshrl.u32 s19, $0x2;
	[tilespmem:s22+$0x440 ss:$0x11] =	vst.msk $0xffff, v10;
	v5 =	vld.idx.msk [tilespmem:v0+s23+$0x450 ss:$0x1], $0xffff;
	s25 =	simm.s32 $0x100  }
0x51: {  	s24 =	simm.s32 $0x4;
	s19 =	sor.u32 $0x2000, s19;
	[tilespmem:s22+$0x550 ss:$0x11] =	vst.msk $0xffff, v11;
	v6 =	vld.idx.msk [tilespmem:v0+s23+$0x460 ss:$0x1], $0xffff;
	s28 =	sand.u32 $0x800, s25  }
.LBB1_3:
0x52: {  	p1 =	sne.s32 s27, $0x3C;
	[tilespmem:s22+$0x660 ss:$0x11] =	vst.msk $0xffff, v8;
	v8 =	vld.idx.msk [tilespmem:v0+s23+$0x470 ss:$0x1], $0xffff;
	s23 =	sor.u32 s29, s28  }
0x53: {  	s28 =	sand.u32 $0xB00, s23;
	v9 =	vld.idx.msk [tilespmem:v0+s23+$0x410 ss:$0x1], $0xffff;
	[tilespmem:s22+$0x770 ss:$0x11] =	vst.msk $0xffff, v7  }
0x54: {  	s29 =	sand.u32 $0x80, s26;
	s28 =	sadd.s32 s28, s20;
	v7 =	vld.idx.msk [tilespmem:v0+s23+$0x420 ss:$0x1], $0xffff;
	[tilespmem:s22+$0x990 ss:$0x11] =	vst.msk $0xffff, v1  }
0x55: {  	s28 =	sadd.s32 s29, s28;
	v10 =	vld.idx.msk [tilespmem:v0+s23+$0x430 ss:$0x1], $0xffff;
	[tilespmem:s22+$0xAA0 ss:$0x11] =	vst.msk $0xffff, v2  }
0x56: {  	v11 =	vld [tilespmem:s28+$0x400];
	[tilespmem:s22+$0xBB0 ss:$0x11] =	vst.msk $0xffff, v3  }
0x57: {  	v12 =	vld [tilespmem:s28+$0x0];
	[tilespmem:s22+$0xCC0 ss:$0x11] =	vst.msk $0xffff, v4  }
0x58: {  	v4 =	vld [tilespmem:s28+$0x10];
	[tilespmem:s22+$0xDD0 ss:$0x11] =	vst.msk $0xffff, v5  }
0x59: {  	s29 =	sshra.s32 s24, $0x2;
	s24 =	smov.u32 s27;
	v1 =	vmov v9;
	v5 =	vld [tilespmem:s28+$0x20];
	[tilespmem:s22+$0xEE0 ss:$0x11] =	vst.msk $0xffff, v6  }
0x5a: {  	v2 =	vmov v7;
	v6 =	vld [tilespmem:s28+$0x30];
	[tilespmem:s22+$0xFF0 ss:$0x11] =	vst.msk $0xffff, v8;
	s22 =	sadd.s32 s29, s21  }
0x5b: {  	v3 =	vmov v10;
	v9 =	vld [tilespmem:s28+$0x40];
	[tilespmem:s22+$0x880 ss:$0x11] =	vst.msk $0xffff, v11  }
0x5c: {  	[tilespmem:s22+$0x0 ss:$0x11] =	vst.msk $0xffff, v12;
	v10 =	vld [tilespmem:s28+$0x50]  }
.Ltmp3:
0x5d: {  	[tilespmem:s22+$0x110 ss:$0x11] =	vst.msk $0xffff, v4;
	v8 =	vld [tilespmem:s28+$0x60];
	(pc) =	sbr.rel @p1 .LBB1_3-.Ltmp3, $4  }
0x5e: {  	[tilespmem:s22+$0x220 ss:$0x11] =	vst.msk $0xffff, v5;
	v7 =	vld [tilespmem:s28+$0x70]  }
0x5f: {  	[tilespmem:s22+$0x330 ss:$0x11] =	vst.msk $0xffff, v6;
	v4 =	vld.idx.msk [tilespmem:v0+s23+$0x440 ss:$0x1], $0xffff  }
0x60: {  	s26 =	sadd.s32 $0x80, s26;
	s25 =	sadd.s32 $0x100, s25;
	[tilespmem:s22+$0x440 ss:$0x11] =	vst.msk $0xffff, v9;
	v5 =	vld.idx.msk [tilespmem:v0+s23+$0x450 ss:$0x1], $0xffff  }
0x61: {  	s27 =	sadd.s32 $0x4, s27;
	s29 =	sand.u32 $0x380, s26;
	s28 =	sand.u32 $0x800, s25;
	[tilespmem:s22+$0x550 ss:$0x11] =	vst.msk $0xffff, v10;
	v6 =	vld.idx.msk [tilespmem:v0+s23+$0x460 ss:$0x1], $0xffff  }
0x62: {  	_ =	sdelay $0x3  }
0x63: {  	s25 =	sor.u32 s29, s28;
	v47 =	vld.idx.msk [tilespmem:v0+s23+$0x470 ss:$0x1], $0xffff  }
0x64: {  	[tilespmem:s22+$0x660 ss:$0x11] =	vst.msk $0xffff, v8;
	v57 =	vld.idx.msk [tilespmem:v0+s25+$0x410 ss:$0x1], $0xffff  }
0x65: {  	[tilespmem:s22+$0x990 ss:$0x11] =	vst.msk $0xffff, v1;
	v58 =	vld.idx.msk [tilespmem:v0+s25+$0x420 ss:$0x1], $0xffff  }
0x66: {  	[tilespmem:s22+$0xAA0 ss:$0x11] =	vst.msk $0xffff, v2;
	v59 =	vld.idx.msk [tilespmem:v0+s25+$0x430 ss:$0x1], $0xffff  }
0x67: {  	[tilespmem:s22+$0xBB0 ss:$0x11] =	vst.msk $0xffff, v3;
	v60 =	vld.idx.msk [tilespmem:v0+s25+$0x440 ss:$0x1], $0xffff  }
0x68: {  	s26 =	sand.u32 $0x80, s26;
	s27 =	sand.u32 $0xB00, s25;
	[tilespmem:s22+$0x770 ss:$0x11] =	vst.msk $0xffff, v7;
	v61 =	vld.idx.msk [tilespmem:v0+s25+$0x450 ss:$0x1], $0xffff  }
0x69: {  	s29 =	sshll.u32 s10, $0x3;
	p1 =	sgt.s32 s11, $0x19;
	v62 =	vld.idx.msk [tilespmem:v0+s25+$0x460 ss:$0x1], $0xffff;
	s20 =	sadd.s32 s27, s20;
	[tilespmem:s22+$0xCC0 ss:$0x11] =	vst.msk $0xffff, v4  }
0x6a: {  	p2 =	sgt.s32 s10, $0x70;
	s31 =	sand.u32 $0xFFFFFC00, s29;
	v63 =	vld.idx.msk [tilespmem:v0+s25+$0x470 ss:$0x1], $0xffff;
	s23 =	sadd.s32 s26, s20;
	[tilespmem:s22+$0xDD0 ss:$0x11] =	vst.msk $0xffff, v5  }
0x6b: {  	s24 =	sshra.s32 s24, $0x2;
	s29 =	sshra.s32 s11, $0x1F;
	s25 =	smul.u32 $0x186A00, s11;
	v48 =	vld [tilespmem:s23+$0x400];
	[tilespmem:s22+$0xEE0 ss:$0x11] =	vst.msk $0xffff, v6  }
0x6c: {  	s26 =	sshll.u32 s9, $0x7;
	s20 =	sadd.s32 s24, s21;
	s24 =	sand.u32 s29, s11;
	v49 =	vld [tilespmem:s23+$0x0];
	[tilespmem:s22+$0xFF0 ss:$0x11] =	vst.msk $0xffff, v47  }
0x6d: {  	s29 =	sshra.s32 s9, $0x1F;
	v50 =	vld [tilespmem:s23+$0x10];
	s30 =	sand.u32 $0xFFFFFC00, s26;
	s28 =	sand.u32 $0x380, s26;
	[tilespmem:s20+$0x990 ss:$0x11] =	vst.msk $0xffff, v57  }
0x6e: {  	v51 =	vld [tilespmem:s23+$0x20];
	s27 =	sadd.s32 s31, s30;
	s22 =	smov.u32 s11;
	s31 =	sshra.s32 s10, $0x1F;
	[tilespmem:s20+$0xAA0 ss:$0x11] =	vst.msk $0xffff, v58  }
0x6f: {  	v52 =	vld [tilespmem:s23+$0x30];
	s21 =	sor.u32 s28, s27;
	s22 =	simm.s32 @!p1 $0x19;
	s28 =	sand.u32 s31, s10;
	[tilespmem:s20+$0xBB0 ss:$0x11] =	vst.msk $0xffff, v59  }
0x70: {  	v53 =	vld [tilespmem:s23+$0x40];
	s27 =	smov.u32 s9;
	[tilespmem:s20+$0xCC0 ss:$0x11] =	vst.msk $0xffff, v60;
	s21 =	sshrl.u32 s21, $0x7;
	s22 =	ssub.s32 s22, s24  }
0x71: {  	v54 =	vld [tilespmem:s23+$0x50];
	[tilespmem:s20+$0xDD0 ss:$0x11] =	vst.msk $0xffff, v61;
	s24 =	smov.u32 s10;
	s26 =	smulhi.u32 $0x14F8B59, s21;
	s30 =	sadd.s32 $0xFFFFFFE7, s22  }
0x72: {  	v55 =	vld [tilespmem:s23+$0x60];
	[tilespmem:s20+$0xEE0 ss:$0x11] =	vst.msk $0xffff, v62;
	s24 =	simm.s32 @!p2 $0x70;
	p2 =	sgt.s32 s9, $0x185A0;
	s22 =	ssub.s32 $0x1A, s22  }
0x73: {  	v56 =	vld [tilespmem:s23+$0x70];
	[tilespmem:s20+$0xFF0 ss:$0x11] =	vst.msk $0xffff, v63;
	p1 =	sgt.s32 s30, $0x0;
	s23 =	ssub.s32 s24, s28;
	s27 =	simm.s32 @!p2 $0x185A0  }
0x74: {  	[tilespmem:s20+$0x880 ss:$0x11] =	vst.msk $0xffff, v48;
	s24 =	sand.u32 s29, s9;
	s28 =	sand.u32 $0x7, s10;
	s26 =	sshrl.u32 s26, $0x9  }
0x75: {  	[tilespmem:s20+$0x0 ss:$0x11] =	vst.msk $0xffff, v49;
	s24 =	ssub.s32 s27, s24;
	s30 =	sadd.s32 $0xFFFFFF90, s23;
	s22 =	simm.s32 @p1 $0x0  }
0x76: {  	[tilespmem:s20+$0x110 ss:$0x11] =	vst.msk $0xffff, v50;
	s23 =	ssub.s32 $0x80, s23;
	s27 =	sshrl.u32 s10, $0x3;
	p1 =	sgt.s32 s30, $0xF  }
0x77: {  	[tilespmem:s20+$0x220 ss:$0x11] =	vst.msk $0xffff, v51;
	s26 =	smul.u32 $0x186A0, s26;
	s31 =	sadd.s32 $0xFFFE7A60, s24;
	s23 =	simm.s32 @p1 $0x0  }
0x78: {  	[tilespmem:s20+$0x330 ss:$0x11] =	vst.msk $0xffff, v52;
	s24 =	ssub.s32 $0x186A0, s24;
	p1 =	sgt.s32 s31, $0xFF;
	s22 =	smul.u32 s22, s23  }
.Ltmp4:
0x79: {  	[tilespmem:s20+$0x440 ss:$0x11] =	vst.msk $0xffff, v53;
	s24 =	simm.s32 @p1 $0x0;
	s21 =	ssub.s32 s21, s26;
	(pc) =	sbr.rel .LBB1_5-.Ltmp4, $4  }
0x7a: {  	[tilespmem:s20+$0x550 ss:$0x11] =	vst.msk $0xffff, v54;
	s23 =	sadd.s32 s5, s25;
	s22 =	smul.u32 s24, s22;
	s24 =	sand.u32 $0xF, s27  }
0x7b: {  	[tilespmem:s20+$0x660 ss:$0x11] =	vst.msk $0xffff, v55;
	s29 =	sshll.u32 s28, $0x12;
	s21 =	sshll.u32 s21, $0x4;
	s23 =	sadd.s32 s24, s23  }
0x7c: {  	[tilespmem:s20+$0x770 ss:$0x11] =	vst.msk $0xffff, v56;
	s31 =	sor.u32 $0x10, s29;
	s30 =	sand.u32 $0x3FFFFFFF, s22;
	s21 =	sadd.s32 s21, s23  }
0x7d: {  	[hbm4b:s21+s31] =	stream.strided.scatter [tilespmem:s19], [sflag:$0x2], s30, s8, s31, $0x8;
	[tilespmem:$0x4200] =	vst v63  }
.LBB1_6:
0x7e: {  	_ =	sfence.sel $0x180000  }
0x7f: {  	s2 =	simm.s32 $0x1;
	[bflag:$0x0] =	sbarrier.arrive $0xFFFF  }
0x80: {  	s31 =	simm.s32 $0x2;
	[sflag:s2] =	ssyncpa.u1 $0x1  }
0x81: {  	[sflag:s31] =	ssyncpa.u1 $0x1  }
0x82: {  	p0 =	sne.s32 s0, $0x0;
	_ =	strace $0x90000047  }
0x83: {  	s0 =	sadd.s32 @!p0 $0x100000, s1;
	[bflag:$0x2] =	sbarrier.arrive $0xFFFF  }
0x84: {  	[sflag:s0] =	ssyncadd.tile.s32 @!p0 $0x1;
	_ =	shalt  }
.Lfunc_end1:
_tile_overlayer_lowered:
.L_overlay_start_2:
0x85: {  	(tag) =	ssettag $0x2  }
0x86: {  	s0 =	rddreg [dreg:$0x0];
	s2 =	stileid.u32  }
0x87: {  	s1 =	rddreg [dreg:$0x1];
	p0 =	sne.s32 s2, $0x0  }
0x88: {  	s3 =	rddreg [dreg:$0x2];
	[bflag:$0x3] =	sbarrier.arrive $0xFFFF;
	s2 =	simm.s32 @!p0 $0x1C01  }
0x89: {  	[timem:s3], [sflag:s2] =	dma.local @!p0 [hbm:s0], s1  }
0x8a: {  	s0 =	simm.s32 @!p0 $0x1  }
0x8b: {  	_ =	swait.ge @!p0 [sflag:s0], s1  }
0x8c: {  	s1 =	ssub.s32 @!p0 $0x0, s1;
	[sflag:s0] =	ssyncset.done @!p0 $0x0  }
0x8d: {  	[sflag:s0] =	ssyncadd.s32 @!p0 s1  }
0x8e: {  	[bflag:$0x3] =	sbarrier.arrive $0xFFFF  }
0x8f: {  	_ =	shalt  }

</sc_bundles>
